<compile_context>
chip_gen: v7x
topology: tpu7x:2x2x1
jax: 0.10.2.dev20260603
libtpu: 0.0.44.dev20260713+nightly
codegen_flags: <defaults>
</compile_context>

<pallas_src>
import functools

import jax
import jax.numpy as jnp
from jax import lax
from jax.experimental import pallas as pl
from jax.experimental.pallas import tpu as pltpu
from jax.experimental.pallas import tpu_sc as plsc

N = 10000
NP = 10240
E = 160000
NTILES = 32
NCHUNK = 48
CB = 128
EP = NTILES * NCHUNK * CB
DEGW = 16
ROWS_PER_SUB = NP // 16

_mesh = plsc.VectorSubcoreMesh(core_axis_name="c", subcore_axis_name="s")


def _wid(c, s):
    return s * 2 + c


@functools.partial(
    pl.kernel,
    mesh=_mesh,
    out_type=jax.ShapeDtypeStruct((2, 2, NP, DEGW), jnp.float32),
    compiler_params=pltpu.CompilerParams(use_tc_tiling_on_sc=False),
    scratch_types=[
        pltpu.VMEM((CB,), jnp.int32),
        pltpu.VMEM((CB,), jnp.int32),
        pltpu.VMEM((CB, DEGW), jnp.float32),
        pltpu.VMEM_SHARED((NP, DEGW), jnp.float32),
        pltpu.VMEM_SHARED((NP, DEGW), jnp.float32),
    ],
)
def _degrees(src_hbm, dst_hbm, ones_hbm, zeros_hbm, out_hbm,
             srcc, dstc, ones_v, dego_sp, degi_sp):
    c = lax.axis_index("c")
    s = lax.axis_index("s")
    w = _wid(c, s)
    rs = pl.ds(s * ROWS_PER_SUB, ROWS_PER_SUB)
    pltpu.sync_copy(ones_hbm, ones_v)
    pltpu.sync_copy(zeros_hbm.at[rs], dego_sp.at[rs])
    pltpu.sync_copy(zeros_hbm.at[rs], degi_sp.at[rs])
    plsc.subcore_barrier()

    def step(j, carry):
        pltpu.sync_copy(src_hbm.at[w, j], srcc)
        pltpu.sync_copy(dst_hbm.at[w, j], dstc)
        pltpu.sync_copy(ones_v, dego_sp.at[srcc], add=True)
        pltpu.sync_copy(ones_v, degi_sp.at[dstc], add=True)
        return carry

    lax.fori_loop(0, NCHUNK, step, 0)
    plsc.subcore_barrier()
    pltpu.sync_copy(dego_sp.at[rs], out_hbm.at[c, 0, rs])
    pltpu.sync_copy(degi_sp.at[rs], out_hbm.at[c, 1, rs])


def _make_msgpass(D):
    @functools.partial(
        pl.kernel,
        mesh=_mesh,
        out_type=jax.ShapeDtypeStruct((2, NP, D), jnp.float32),
        compiler_params=pltpu.CompilerParams(use_tc_tiling_on_sc=False),
        scratch_types=[
            pltpu.VMEM((CB,), jnp.int32),
            pltpu.VMEM((CB,), jnp.int32),
            pltpu.VMEM((CB, D), jnp.float32),
            pltpu.VMEM_SHARED((NP, D), jnp.float32),
            pltpu.SemaphoreType.DMA,
        ],
    )
    def _msgpass(h_hbm, src_hbm, dst_hbm, zeros_hbm, out_hbm,
                 srcc, dstc, rows_v, agg_sp, sem):
        c = lax.axis_index("c")
        s = lax.axis_index("s")
        w = _wid(c, s)
        rs = pl.ds(s * ROWS_PER_SUB, ROWS_PER_SUB)
        pltpu.sync_copy(zeros_hbm.at[rs], agg_sp.at[rs])
        plsc.subcore_barrier()

        def step(j, carry):
            pltpu.sync_copy(src_hbm.at[w, j], srcc)
            pltpu.sync_copy(dst_hbm.at[w, j], dstc)
            pltpu.async_copy(h_hbm.at[srcc], rows_v, sem).wait()
            pltpu.sync_copy(rows_v, agg_sp.at[dstc], add=True)
            return carry

        lax.fori_loop(0, NCHUNK, step, 0)
        plsc.subcore_barrier()
        pltpu.sync_copy(agg_sp.at[rs], out_hbm.at[c, rs])

    return _msgpass


_msgpass64 = _make_msgpass(64)
_msgpass32 = _make_msgpass(32)


def _norms_body(deg_ref, norms_ref):
    deg = deg_ref[...]
    dego = deg[0, 0] + deg[1, 0]
    degi = deg[0, 1] + deg[1, 1]
    norms_ref[0] = 1.0 / jnp.sqrt(jnp.maximum(dego, 1.0))
    norms_ref[1] = 1.0 / jnp.sqrt(jnp.maximum(degi, 1.0))


def _norms(degp_packed):
    return pl.pallas_call(
        _norms_body,
        out_shape=jax.ShapeDtypeStruct((2, NP // 128, 128), jnp.float32),
    )(degp_packed)


BR = 640


def _dense_body(x_ref, w_ref, no_ref, o_ref):
    h = jnp.dot(x_ref[...], w_ref[...], preferred_element_type=jnp.float32)
    o_ref[...] = h * no_ref[...]


def _dense_scaled(x, w, norm_out_col):
    K = x.shape[1]
    D = w.shape[1]
    return pl.pallas_call(
        _dense_body,
        grid=(NP // BR,),
        in_specs=[
            pl.BlockSpec((BR, K), lambda i: (i, 0)),
            pl.BlockSpec((K, D), lambda i: (0, 0)),
            pl.BlockSpec((BR, 1), lambda i: (i, 0)),
        ],
        out_specs=pl.BlockSpec((BR, D), lambda i: (i, 0)),
        out_shape=jax.ShapeDtypeStruct((NP, D), jnp.float32),
    )(x, w, norm_out_col)


def _pre_bn_body(aggp_ref, ni_ref, b_ref, o_ref):
    agg = aggp_ref[0] + aggp_ref[1]
    y = agg * ni_ref[...] + b_ref[...]
    o_ref[...] = jnp.maximum(y, 0.0)


def _pre_bn(aggp, norm_in_col, b):
    D = aggp.shape[2]
    return pl.pallas_call(
        _pre_bn_body,
        out_shape=jax.ShapeDtypeStruct((NP, D), jnp.float32),
    )(aggp, norm_in_col, b)


def _bn_apply_body(y_ref, mu_ref, var_ref, g_ref, be_ref, o_ref):
    yv = y_ref[:N]
    hn = (g_ref[...] * (yv - mu_ref[...]) / jnp.sqrt(var_ref[...] + 1e-5)
          + be_ref[...])
    o_ref[...] = jnp.concatenate(
        [hn, jnp.zeros((NP - N, hn.shape[1]), jnp.float32)], axis=0)


def _bn_apply(y, mu, var, g, be):
    D = y.shape[1]
    return pl.pallas_call(
        _bn_apply_body,
        out_shape=jax.ShapeDtypeStruct((NP, D), jnp.float32),
    )(y, mu, var, g, be)


BM = 400


def _decoder_body(ha_ref, hb_ref, o_ref):
    z = lax.dot_general(ha_ref[...], hb_ref[...],
                        (((1,), (1,)), ((), ())),
                        preferred_element_type=jnp.float32)
    o_ref[...] = jax.nn.sigmoid(z)


def _decoder(h):
    return pl.pallas_call(
        _decoder_body,
        grid=(N // BM,),
        in_specs=[
            pl.BlockSpec((BM, 32), lambda i: (i, 0)),
            pl.BlockSpec((N, 32), lambda i: (0, 0)),
        ],
        out_specs=pl.BlockSpec((BM, N), lambda i: (i, 0)),
        out_shape=jax.ShapeDtypeStruct((N, N), jnp.float32),
    )(h, h)


def kernel(features, edge_index, W1, b1, gamma1, beta1, W2, b2, gamma2, beta2,
           Wr, br):
    src = edge_index[0]
    dst = edge_index[1]
    perm = jnp.argsort(dst, stable=True)
    srcs = src[perm]
    dsts = dst[perm]
    rows_per_tile = NP // NTILES
    bounds = jnp.searchsorted(dsts, jnp.arange(NTILES + 1) * rows_per_tile)
    cap = NCHUNK * CB
    cnt = bounds[1:] - bounds[:-1]
    k_idx = jnp.arange(cap)[None, :]
    epos = jnp.clip(bounds[:-1][:, None] + k_idx, 0, E - 1)
    valid = k_idx < cnt[:, None]
    src3 = jnp.where(valid, srcs[epos], N).astype(jnp.int32).reshape(
        NTILES, CB, NCHUNK).swapaxes(1, 2)
    dst3 = jnp.where(valid, dsts[epos], N).astype(jnp.int32).reshape(
        NTILES, CB, NCHUNK).swapaxes(1, 2)
    ones_deg = jnp.ones((CB, DEGW), jnp.float32)
    zeros_deg = jnp.zeros((NP, DEGW), jnp.float32)
    zeros64 = jnp.zeros((NP, 64), jnp.float32)
    zeros32 = jnp.zeros((NP, 32), jnp.float32)
    xpad = jnp.concatenate(
        [features, jnp.zeros((NP - N, features.shape[1]), jnp.float32)], axis=0)

    degp = _degrees(src3, dst3, ones_deg, zeros_deg)
    degp_packed = degp[:, :, :, 0].reshape(2, 2, NP // 128, 128)
    norms_p = _norms(degp_packed)
    no_col = norms_p[0].reshape(NP, 1)
    ni_col = norms_p[1].reshape(NP, 1)

    h1s = _dense_scaled(xpad, W1, no_col)
    aggp1 = _msgpass64(h1s, src3, dst3, zeros64)
    y1 = _pre_bn(aggp1, ni_col, b1.reshape(1, -1))
    mu1 = jnp.mean(y1[:N], axis=0, keepdims=True)
    var1 = jnp.var(y1[:N], axis=0, keepdims=True)
    hn1 = _bn_apply(y1, mu1, var1, gamma1.reshape(1, -1), beta1.reshape(1, -1))
    h2s = _dense_scaled(hn1, W2, no_col)
    aggp2 = _msgpass32(h2s, src3, dst3, zeros32)
    y2 = _pre_bn(aggp2, ni_col, b2.reshape(1, -1))
    mu2 = jnp.mean(y2[:N], axis=0, keepdims=True)
    var2 = jnp.var(y2[:N], axis=0, keepdims=True)
    hn2 = _bn_apply(y2, mu2, var2, gamma2.reshape(1, -1), beta2.reshape(1, -1))
    h = hn2[:N]
    pred = jnp.mean(h, axis=0, keepdims=True) @ Wr + br
    adj = _decoder(h)
    return (adj, pred)

# --- scband reference (transcript-rebuilt; emitter-appended) ---
"""Pipeline reference for scband-gae-10204842295869 (READ-ONLY COPY).

The authoritative reference and input builder live on the scoring server;
editing this copy changes nothing except your own understanding.
"""

import jax, jax.numpy as jnp
import numpy as np

N_NODES = 10000
N_EDGES = 160000
IN_FEATS = 128
HIDDEN = [64, 32]


def setup_inputs(seed: int = 0) -> dict:
    key = jax.random.key(seed)
    ks = jax.random.split(key, 12)
    features = jax.random.normal(ks[0], (N_NODES, IN_FEATS), dtype=jnp.float32)
    edge_index = jax.random.randint(ks[1], (2, N_EDGES), 0, N_NODES, dtype=jnp.int64 if jax.config.jax_enable_x64 else jnp.int32).astype(jnp.int32)
    # layer 1 params (GraphConv in=128 out=64 + BatchNorm)
    W1 = jax.random.normal(ks[2], (IN_FEATS, HIDDEN[0]), dtype=jnp.float32) * (1.0 / np.sqrt(IN_FEATS))
    b1 = jnp.zeros((HIDDEN[0],), dtype=jnp.float32)
    gamma1 = jnp.ones((HIDDEN[0],), dtype=jnp.float32)
    beta1 = jnp.zeros((HIDDEN[0],), dtype=jnp.float32)
    # layer 2 params (GraphConv in=64 out=32 + BatchNorm)
    W2 = jax.random.normal(ks[3], (HIDDEN[0], HIDDEN[1]), dtype=jnp.float32) * (1.0 / np.sqrt(HIDDEN[0]))
    b2 = jnp.zeros((HIDDEN[1],), dtype=jnp.float32)
    gamma2 = jnp.ones((HIDDEN[1],), dtype=jnp.float32)
    beta2 = jnp.zeros((HIDDEN[1],), dtype=jnp.float32)
    # regressor Linear(32, 1)
    Wr = jax.random.normal(ks[4], (HIDDEN[1], 1), dtype=jnp.float32) * (1.0 / np.sqrt(HIDDEN[1]))
    br = jnp.zeros((1,), dtype=jnp.float32)
    return {
        "features": features, "edge_index": edge_index,
        "W1": W1, "b1": b1, "gamma1": gamma1, "beta1": beta1,
        "W2": W2, "b2": b2, "gamma2": gamma2, "beta2": beta2,
        "Wr": Wr, "br": br,
    }


def reference(features, edge_index, W1, b1, gamma1, beta1, W2, b2, gamma2, beta2, Wr, br):
    src = edge_index[0]
    dst = edge_index[1]
    n = features.shape[0]
    ones_e = jnp.ones((src.shape[0],), dtype=jnp.float32)
    out_deg = jax.ops.segment_sum(ones_e, src, num_segments=n)
    in_deg = jax.ops.segment_sum(ones_e, dst, num_segments=n)
    norm_out = jnp.power(jnp.clip(out_deg, 1.0, None), -0.5)
    norm_in = jnp.power(jnp.clip(in_deg, 1.0, None), -0.5)

    def graph_conv(h, W, b):
        # DGL GraphConv, norm='both': in_feats > out_feats so weight is applied first
        h = h @ W
        h = h * norm_out[:, None]
        msg = jnp.take(h, src, axis=0)
        agg = jax.ops.segment_sum(msg, dst, num_segments=n)
        agg = agg * norm_in[:, None]
        agg = agg + b
        return jax.nn.relu(agg)

    def batch_norm(h, gamma, beta):
        # training-mode BatchNorm1d: biased batch statistics over nodes
        mu = jnp.mean(h, axis=0)
        var = jnp.var(h, axis=0)
        return gamma * (h - mu) / jnp.sqrt(var + 1e-5) + beta

    h = batch_norm(graph_conv(features, W1, b1), gamma1, beta1)
    h = batch_norm(graph_conv(h, W2, b2), gamma2, beta2)
    # dgl.mean_nodes over a single graph
    h_global = jnp.mean(h, axis=0, keepdims=True)
    # InnerProductDecoder (dropout acts as identity in eval)
    adj = jax.nn.sigmoid(h @ h.T)
    pred = h_global @ Wr + br
    return (adj, pred)

if __name__ == "__main__":
    import jax
    _d = setup_inputs()
    print(jax.jit(kernel)(*tuple(_d.values())))

</pallas_src>

<mosaic_0001>
#map = affine_map<(d0, d1) -> (0, 0, 0)>
#map1 = affine_map<(d0, d1) -> (0, 0)>
#map2 = affine_map<(d0, d1) -> (0, 0, 0, 0)>
module attributes {stable_mosaic.version = 14 : i64} {
  func.func @_degrees(%arg0: i32, %arg1: i32, %arg2: memref<32x48x128xi32, #tpu.memory_space<hbm>>, %arg3: memref<32x48x128xi32, #tpu.memory_space<hbm>>, %arg4: memref<128x16xf32, #tpu.memory_space<hbm>>, %arg5: memref<10240x16xf32, #tpu.memory_space<hbm>>, %arg6: memref<2x2x10240x16xf32, #tpu.memory_space<hbm>>, %arg7: memref<128xi32, #tpu.memory_space<vmem>>, %arg8: memref<128xi32, #tpu.memory_space<vmem>>, %arg9: memref<128x16xf32, #tpu.memory_space<vmem>>, %arg10: memref<10240x16xf32, #tpu.memory_space<vmem_shared>>, %arg11: memref<10240x16xf32, #tpu.memory_space<vmem_shared>>) attributes {dimension_semantics = [#tpu.dimension_semantics<core_parallel>, #tpu.dimension_semantics<subcore_parallel>], iteration_bounds = array<i64: 2, 16>, scalar_prefetch = 0 : i64, scratch_operands = 5 : i64, tpu.core_type = #tpu.core_type<sc_vector_subcore>, window_params = [{transform_indices = #map}, {transform_indices = #map}, {transform_indices = #map1}, {transform_indices = #map1}, {transform_indices = #map2}]} {
    %mul3A = arith.constant 2 : i32
    %mul3A_0 = arith.muli %arg1, %mul3A : i32
    %add3A = arith.addi %mul3A_0, %arg0 : i32
    %mul3A_1 = arith.constant 640 : i32
    %mul3A_2 = arith.muli %arg1, %mul3A_1 : i32
    "tpu.region"() ({
      %run_scoped3A_10 = tpu.sem_alloc : memref<!tpu.dma_semaphore, #tpu.memory_space<semaphore_mem>>
      tpu.enqueue_dma source(%arg4 : memref<128x16xf32, #tpu.memory_space<hbm>>) target(%arg9 : memref<128x16xf32, #tpu.memory_space<vmem>>) target_semaphore(%run_scoped3A_10 : memref<!tpu.dma_semaphore, #tpu.memory_space<semaphore_mem>>)
      tpu.wait_dma2 semaphore(%run_scoped3A_10 : memref<!tpu.dma_semaphore, #tpu.memory_space<semaphore_mem>>) src(%arg4 : memref<128x16xf32, #tpu.memory_space<hbm>>) dst(%arg9 : memref<128x16xf32, #tpu.memory_space<vmem>>)
      tpu.yield
    }) : () -> ()
    "tpu.region"() ({
      %run_scoped3A_10 = tpu.sem_alloc : memref<!tpu.dma_semaphore, #tpu.memory_space<semaphore_mem>>
      %dma_start3A = arith.constant 0 : i32
      %dma_start3A_11 = tpu.memref_slice %arg10[%mul3A_2, %dma_start3A] : memref<10240x16xf32, #tpu.memory_space<vmem_shared>> -> memref<640x16xf32, #tpu.memory_space<vmem_shared>>
      %dma_start3A_12 = arith.constant 0 : i32
      %dma_start3A_13 = tpu.memref_slice %arg5[%mul3A_2, %dma_start3A_12] : memref<10240x16xf32, #tpu.memory_space<hbm>> -> memref<640x16xf32, #tpu.memory_space<hbm>>
      tpu.enqueue_dma source(%dma_start3A_13 : memref<640x16xf32, #tpu.memory_space<hbm>>) target(%dma_start3A_11 : memref<640x16xf32, #tpu.memory_space<vmem_shared>>) target_semaphore(%run_scoped3A_10 : memref<!tpu.dma_semaphore, #tpu.memory_space<semaphore_mem>>)
      %dma_wait3A = arith.constant 0 : i32
      %dma_wait3A_14 = tpu.memref_slice %arg10[%mul3A_2, %dma_wait3A] : memref<10240x16xf32, #tpu.memory_space<vmem_shared>> -> memref<640x16xf32, #tpu.memory_space<vmem_shared>>
      %dma_wait3A_15 = arith.constant 0 : i32
      %dma_wait3A_16 = tpu.memref_slice %arg5[%mul3A_2, %dma_wait3A_15] : memref<10240x16xf32, #tpu.memory_space<hbm>> -> memref<640x16xf32, #tpu.memory_space<hbm>>
      tpu.wait_dma2 semaphore(%run_scoped3A_10 : memref<!tpu.dma_semaphore, #tpu.memory_space<semaphore_mem>>) src(%dma_wait3A_16 : memref<640x16xf32, #tpu.memory_space<hbm>>) dst(%dma_wait3A_14 : memref<640x16xf32, #tpu.memory_space<vmem_shared>>)
      tpu.yield
    }) : () -> ()
    "tpu.region"() ({
      %run_scoped3A_10 = tpu.sem_alloc : memref<!tpu.dma_semaphore, #tpu.memory_space<semaphore_mem>>
      %dma_start3A = arith.constant 0 : i32
      %dma_start3A_11 = tpu.memref_slice %arg11[%mul3A_2, %dma_start3A] : memref<10240x16xf32, #tpu.memory_space<vmem_shared>> -> memref<640x16xf32, #tpu.memory_space<vmem_shared>>
      %dma_start3A_12 = arith.constant 0 : i32
      %dma_start3A_13 = tpu.memref_slice %arg5[%mul3A_2, %dma_start3A_12] : memref<10240x16xf32, #tpu.memory_space<hbm>> -> memref<640x16xf32, #tpu.memory_space<hbm>>
      tpu.enqueue_dma source(%dma_start3A_13 : memref<640x16xf32, #tpu.memory_space<hbm>>) target(%dma_start3A_11 : memref<640x16xf32, #tpu.memory_space<vmem_shared>>) target_semaphore(%run_scoped3A_10 : memref<!tpu.dma_semaphore, #tpu.memory_space<semaphore_mem>>)
      %dma_wait3A = arith.constant 0 : i32
      %dma_wait3A_14 = tpu.memref_slice %arg11[%mul3A_2, %dma_wait3A] : memref<10240x16xf32, #tpu.memory_space<vmem_shared>> -> memref<640x16xf32, #tpu.memory_space<vmem_shared>>
      %dma_wait3A_15 = arith.constant 0 : i32
      %dma_wait3A_16 = tpu.memref_slice %arg5[%mul3A_2, %dma_wait3A_15] : memref<10240x16xf32, #tpu.memory_space<hbm>> -> memref<640x16xf32, #tpu.memory_space<hbm>>
      tpu.wait_dma2 semaphore(%run_scoped3A_10 : memref<!tpu.dma_semaphore, #tpu.memory_space<semaphore_mem>>) src(%dma_wait3A_16 : memref<640x16xf32, #tpu.memory_space<hbm>>) dst(%dma_wait3A_14 : memref<640x16xf32, #tpu.memory_space<vmem_shared>>)
      tpu.yield
    }) : () -> ()
    %barrier3A = arith.constant 0 : index
    tpu.barrier barrier_id(%barrier3A)
    %scan3A = arith.constant 0 : i32
    %scan3A_3 = arith.constant 0 : i32
    %scan3A_4 = arith.constant 48 : i32
    %scan3A_5 = arith.addi %scan3A_3, %scan3A_4 : i32
    %scan3A_6 = arith.constant 1 : i32
    scf.for %scan3A_10 = %scan3A_3 to %scan3A_5 step %scan3A_6  : i32 {
      "tpu.region"() ({
        %run_scoped3A_11 = tpu.sem_alloc : memref<!tpu.dma_semaphore, #tpu.memory_space<semaphore_mem>>
        %dma_start3A = arith.constant 0 : i32
        %dma_start3A_12 = tpu.memref_slice %arg2[%add3A, %scan3A_10, %dma_start3A] : memref<32x48x128xi32, #tpu.memory_space<hbm>> -> memref<1x1x128xi32, #tpu.memory_space<hbm>>
        %dma_start3A_13 = tpu.memref_squeeze %dma_start3A_12 : memref<1x1x128xi32, #tpu.memory_space<hbm>> -> memref<128xi32, #tpu.memory_space<hbm>>
        %dma_start3A_14 = arith.constant 0 : i32
        %dma_start3A_15 = tpu.memref_slice %arg2[%add3A, %scan3A_10, %dma_start3A_14] : memref<32x48x128xi32, #tpu.memory_space<hbm>> -> memref<1x1x128xi32, #tpu.memory_space<hbm>>
        %dma_start3A_16 = tpu.memref_squeeze %dma_start3A_15 : memref<1x1x128xi32, #tpu.memory_space<hbm>> -> memref<128xi32, #tpu.memory_space<hbm>>
        tpu.enqueue_dma source(%dma_start3A_16 : memref<128xi32, #tpu.memory_space<hbm>>) target(%arg7 : memref<128xi32, #tpu.memory_space<vmem>>) target_semaphore(%run_scoped3A_11 : memref<!tpu.dma_semaphore, #tpu.memory_space<semaphore_mem>>)
        %dma_wait3A = arith.constant 0 : i32
        %dma_wait3A_17 = tpu.memref_slice %arg2[%add3A, %scan3A_10, %dma_wait3A] : memref<32x48x128xi32, #tpu.memory_space<hbm>> -> memref<1x1x128xi32, #tpu.memory_space<hbm>>
        %dma_wait3A_18 = tpu.memref_squeeze %dma_wait3A_17 : memref<1x1x128xi32, #tpu.memory_space<hbm>> -> memref<128xi32, #tpu.memory_space<hbm>>
        %dma_wait3A_19 = arith.constant 0 : i32
        %dma_wait3A_20 = tpu.memref_slice %arg2[%add3A, %scan3A_10, %dma_wait3A_19] : memref<32x48x128xi32, #tpu.memory_space<hbm>> -> memref<1x1x128xi32, #tpu.memory_space<hbm>>
        %dma_wait3A_21 = tpu.memref_squeeze %dma_wait3A_20 : memref<1x1x128xi32, #tpu.memory_space<hbm>> -> memref<128xi32, #tpu.memory_space<hbm>>
        tpu.wait_dma2 semaphore(%run_scoped3A_11 : memref<!tpu.dma_semaphore, #tpu.memory_space<semaphore_mem>>) src(%dma_wait3A_21 : memref<128xi32, #tpu.memory_space<hbm>>) dst(%arg7 : memref<128xi32, #tpu.memory_space<vmem>>)
        tpu.yield
      }) : () -> ()
      "tpu.region"() ({
        %run_scoped3A_11 = tpu.sem_alloc : memref<!tpu.dma_semaphore, #tpu.memory_space<semaphore_mem>>
        %dma_start3A = arith.constant 0 : i32
        %dma_start3A_12 = tpu.memref_slice %arg3[%add3A, %scan3A_10, %dma_start3A] : memref<32x48x128xi32, #tpu.memory_space<hbm>> -> memref<1x1x128xi32, #tpu.memory_space<hbm>>
        %dma_start3A_13 = tpu.memref_squeeze %dma_start3A_12 : memref<1x1x128xi32, #tpu.memory_space<hbm>> -> memref<128xi32, #tpu.memory_space<hbm>>
        %dma_start3A_14 = arith.constant 0 : i32
        %dma_start3A_15 = tpu.memref_slice %arg3[%add3A, %scan3A_10, %dma_start3A_14] : memref<32x48x128xi32, #tpu.memory_space<hbm>> -> memref<1x1x128xi32, #tpu.memory_space<hbm>>
        %dma_start3A_16 = tpu.memref_squeeze %dma_start3A_15 : memref<1x1x128xi32, #tpu.memory_space<hbm>> -> memref<128xi32, #tpu.memory_space<hbm>>
        tpu.enqueue_dma source(%dma_start3A_16 : memref<128xi32, #tpu.memory_space<hbm>>) target(%arg8 : memref<128xi32, #tpu.memory_space<vmem>>) target_semaphore(%run_scoped3A_11 : memref<!tpu.dma_semaphore, #tpu.memory_space<semaphore_mem>>)
        %dma_wait3A = arith.constant 0 : i32
        %dma_wait3A_17 = tpu.memref_slice %arg3[%add3A, %scan3A_10, %dma_wait3A] : memref<32x48x128xi32, #tpu.memory_space<hbm>> -> memref<1x1x128xi32, #tpu.memory_space<hbm>>
        %dma_wait3A_18 = tpu.memref_squeeze %dma_wait3A_17 : memref<1x1x128xi32, #tpu.memory_space<hbm>> -> memref<128xi32, #tpu.memory_space<hbm>>
        %dma_wait3A_19 = arith.constant 0 : i32
        %dma_wait3A_20 = tpu.memref_slice %arg3[%add3A, %scan3A_10, %dma_wait3A_19] : memref<32x48x128xi32, #tpu.memory_space<hbm>> -> memref<1x1x128xi32, #tpu.memory_space<hbm>>
        %dma_wait3A_21 = tpu.memref_squeeze %dma_wait3A_20 : memref<1x1x128xi32, #tpu.memory_space<hbm>> -> memref<128xi32, #tpu.memory_space<hbm>>
        tpu.wait_dma2 semaphore(%run_scoped3A_11 : memref<!tpu.dma_semaphore, #tpu.memory_space<semaphore_mem>>) src(%dma_wait3A_21 : memref<128xi32, #tpu.memory_space<hbm>>) dst(%arg8 : memref<128xi32, #tpu.memory_space<vmem>>)
        tpu.yield
      }) : () -> ()
      "tpu.region"() ({
        %run_scoped3A_11 = tpu.sem_alloc : memref<!tpu.dma_semaphore, #tpu.memory_space<semaphore_mem>>
        %dma_start3A = arith.constant 0 : i32
        %dma_start3A_12 = arith.constant 0 : i32
        %dma_start3A_13 = tpu.memref_slice %arg10[%dma_start3A, %dma_start3A_12] : memref<10240x16xf32, #tpu.memory_space<vmem_shared>> -> memref<10240x16xf32, #tpu.memory_space<vmem_shared>>
        tpu.enqueue_indirect_dma source(%arg9 : memref<128x16xf32, #tpu.memory_space<vmem>>) target(%dma_start3A_13 : memref<10240x16xf32, #tpu.memory_space<vmem_shared>>) offsets(%arg7 : memref<128xi32, #tpu.memory_space<vmem>>) semaphore(%run_scoped3A_11 : memref<!tpu.dma_semaphore, #tpu.memory_space<semaphore_mem>>) {add = true}
        %dma_wait3A = arith.constant 0 : i32
        %dma_wait3A_14 = arith.constant 0 : i32
        %dma_wait3A_15 = tpu.memref_slice %arg10[%dma_wait3A, %dma_wait3A_14] : memref<10240x16xf32, #tpu.memory_space<vmem_shared>> -> memref<10240x16xf32, #tpu.memory_space<vmem_shared>>
        tpu.wait_indirect_dma semaphore(%run_scoped3A_11 : memref<!tpu.dma_semaphore, #tpu.memory_space<semaphore_mem>>) src(%arg9 : memref<128x16xf32, #tpu.memory_space<vmem>>) dst(%dma_wait3A_15 : memref<10240x16xf32, #tpu.memory_space<vmem_shared>>)
        tpu.yield
      }) : () -> ()
      "tpu.region"() ({
        %run_scoped3A_11 = tpu.sem_alloc : memref<!tpu.dma_semaphore, #tpu.memory_space<semaphore_mem>>
        %dma_start3A = arith.constant 0 : i32
        %dma_start3A_12 = arith.constant 0 : i32
        %dma_start3A_13 = tpu.memref_slice %arg11[%dma_start3A, %dma_start3A_12] : memref<10240x16xf32, #tpu.memory_space<vmem_shared>> -> memref<10240x16xf32, #tpu.memory_space<vmem_shared>>
        tpu.enqueue_indirect_dma source(%arg9 : memref<128x16xf32, #tpu.memory_space<vmem>>) target(%dma_start3A_13 : memref<10240x16xf32, #tpu.memory_space<vmem_shared>>) offsets(%arg8 : memref<128xi32, #tpu.memory_space<vmem>>) semaphore(%run_scoped3A_11 : memref<!tpu.dma_semaphore, #tpu.memory_space<semaphore_mem>>) {add = true}
        %dma_wait3A = arith.constant 0 : i32
        %dma_wait3A_14 = arith.constant 0 : i32
        %dma_wait3A_15 = tpu.memref_slice %arg11[%dma_wait3A, %dma_wait3A_14] : memref<10240x16xf32, #tpu.memory_space<vmem_shared>> -> memref<10240x16xf32, #tpu.memory_space<vmem_shared>>
        tpu.wait_indirect_dma semaphore(%run_scoped3A_11 : memref<!tpu.dma_semaphore, #tpu.memory_space<semaphore_mem>>) src(%arg9 : memref<128x16xf32, #tpu.memory_space<vmem>>) dst(%dma_wait3A_15 : memref<10240x16xf32, #tpu.memory_space<vmem_shared>>)
        tpu.yield
      }) : () -> ()
    }
    %scan3A_7 = arith.constant 48 : i32
    %barrier3A_8 = arith.constant 0 : index
    tpu.barrier barrier_id(%barrier3A_8)
    %run_scoped3A = arith.constant 0 : i32
    "tpu.region"() ({
      %run_scoped3A_10 = tpu.sem_alloc : memref<!tpu.dma_semaphore, #tpu.memory_space<semaphore_mem>>
      %dma_start3A = arith.constant 0 : i32
      %dma_start3A_11 = tpu.memref_slice %arg6[%arg0, %run_scoped3A, %mul3A_2, %dma_start3A] : memref<2x2x10240x16xf32, #tpu.memory_space<hbm>> -> memref<1x1x640x16xf32, #tpu.memory_space<hbm>>
      %dma_start3A_12 = tpu.memref_squeeze %dma_start3A_11 : memref<1x1x640x16xf32, #tpu.memory_space<hbm>> -> memref<640x16xf32, #tpu.memory_space<hbm>>
      %dma_start3A_13 = arith.constant 0 : i32
      %dma_start3A_14 = tpu.memref_slice %arg10[%mul3A_2, %dma_start3A_13] : memref<10240x16xf32, #tpu.memory_space<vmem_shared>> -> memref<640x16xf32, #tpu.memory_space<vmem_shared>>
      tpu.enqueue_dma source(%dma_start3A_14 : memref<640x16xf32, #tpu.memory_space<vmem_shared>>) target(%dma_start3A_12 : memref<640x16xf32, #tpu.memory_space<hbm>>) target_semaphore(%run_scoped3A_10 : memref<!tpu.dma_semaphore, #tpu.memory_space<semaphore_mem>>)
      %dma_wait3A = arith.constant 0 : i32
      %dma_wait3A_15 = tpu.memref_slice %arg6[%arg0, %run_scoped3A, %mul3A_2, %dma_wait3A] : memref<2x2x10240x16xf32, #tpu.memory_space<hbm>> -> memref<1x1x640x16xf32, #tpu.memory_space<hbm>>
      %dma_wait3A_16 = tpu.memref_squeeze %dma_wait3A_15 : memref<1x1x640x16xf32, #tpu.memory_space<hbm>> -> memref<640x16xf32, #tpu.memory_space<hbm>>
      %dma_wait3A_17 = arith.constant 0 : i32
      %dma_wait3A_18 = tpu.memref_slice %arg10[%mul3A_2, %dma_wait3A_17] : memref<10240x16xf32, #tpu.memory_space<vmem_shared>> -> memref<640x16xf32, #tpu.memory_space<vmem_shared>>
      tpu.wait_dma2 semaphore(%run_scoped3A_10 : memref<!tpu.dma_semaphore, #tpu.memory_space<semaphore_mem>>) src(%dma_wait3A_18 : memref<640x16xf32, #tpu.memory_space<vmem_shared>>) dst(%dma_wait3A_16 : memref<640x16xf32, #tpu.memory_space<hbm>>)
      tpu.yield
    }) : () -> ()
    %run_scoped3A_9 = arith.constant 1 : i32
    "tpu.region"() ({
      %run_scoped3A_10 = tpu.sem_alloc : memref<!tpu.dma_semaphore, #tpu.memory_space<semaphore_mem>>
      %dma_start3A = arith.constant 0 : i32
      %dma_start3A_11 = tpu.memref_slice %arg6[%arg0, %run_scoped3A_9, %mul3A_2, %dma_start3A] : memref<2x2x10240x16xf32, #tpu.memory_space<hbm>> -> memref<1x1x640x16xf32, #tpu.memory_space<hbm>>
      %dma_start3A_12 = tpu.memref_squeeze %dma_start3A_11 : memref<1x1x640x16xf32, #tpu.memory_space<hbm>> -> memref<640x16xf32, #tpu.memory_space<hbm>>
      %dma_start3A_13 = arith.constant 0 : i32
      %dma_start3A_14 = tpu.memref_slice %arg11[%mul3A_2, %dma_start3A_13] : memref<10240x16xf32, #tpu.memory_space<vmem_shared>> -> memref<640x16xf32, #tpu.memory_space<vmem_shared>>
      tpu.enqueue_dma source(%dma_start3A_14 : memref<640x16xf32, #tpu.memory_space<vmem_shared>>) target(%dma_start3A_12 : memref<640x16xf32, #tpu.memory_space<hbm>>) target_semaphore(%run_scoped3A_10 : memref<!tpu.dma_semaphore, #tpu.memory_space<semaphore_mem>>)
      %dma_wait3A = arith.constant 0 : i32
      %dma_wait3A_15 = tpu.memref_slice %arg6[%arg0, %run_scoped3A_9, %mul3A_2, %dma_wait3A] : memref<2x2x10240x16xf32, #tpu.memory_space<hbm>> -> memref<1x1x640x16xf32, #tpu.memory_space<hbm>>
      %dma_wait3A_16 = tpu.memref_squeeze %dma_wait3A_15 : memref<1x1x640x16xf32, #tpu.memory_space<hbm>> -> memref<640x16xf32, #tpu.memory_space<hbm>>
      %dma_wait3A_17 = arith.constant 0 : i32
      %dma_wait3A_18 = tpu.memref_slice %arg11[%mul3A_2, %dma_wait3A_17] : memref<10240x16xf32, #tpu.memory_space<vmem_shared>> -> memref<640x16xf32, #tpu.memory_space<vmem_shared>>
      tpu.wait_dma2 semaphore(%run_scoped3A_10 : memref<!tpu.dma_semaphore, #tpu.memory_space<semaphore_mem>>) src(%dma_wait3A_18 : memref<640x16xf32, #tpu.memory_space<vmem_shared>>) dst(%dma_wait3A_16 : memref<640x16xf32, #tpu.memory_space<hbm>>)
      tpu.yield
    }) : () -> ()
    return
  }
}

#map = affine_map<(d0, d1) -> (0, 0)>
#map1 = affine_map<(d0, d1) -> (0, 0, 0)>
module attributes {stable_mosaic.version = 14 : i64} {
  func.func @_msgpass(%arg0: i32, %arg1: i32, %arg2: memref<10240x64xf32, #tpu.memory_space<hbm>>, %arg3: memref<32x48x128xi32, #tpu.memory_space<hbm>>, %arg4: memref<32x48x128xi32, #tpu.memory_space<hbm>>, %arg5: memref<10240x64xf32, #tpu.memory_space<hbm>>, %arg6: memref<2x10240x64xf32, #tpu.memory_space<hbm>>, %arg7: memref<128xi32, #tpu.memory_space<vmem>>, %arg8: memref<128xi32, #tpu.memory_space<vmem>>, %arg9: memref<128x64xf32, #tpu.memory_space<vmem>>, %arg10: memref<10240x64xf32, #tpu.memory_space<vmem_shared>>, %arg11: memref<!tpu.dma_semaphore, #tpu.memory_space<semaphore_mem>>) attributes {dimension_semantics = [#tpu.dimension_semantics<core_parallel>, #tpu.dimension_semantics<subcore_parallel>], iteration_bounds = array<i64: 2, 16>, scalar_prefetch = 0 : i64, scratch_operands = 5 : i64, tpu.core_type = #tpu.core_type<sc_vector_subcore>, window_params = [{transform_indices = #map}, {transform_indices = #map1}, {transform_indices = #map1}, {transform_indices = #map}, {transform_indices = #map1}]} {
    %mul3A = arith.constant 2 : i32
    %mul3A_0 = arith.muli %arg1, %mul3A : i32
    %add3A = arith.addi %mul3A_0, %arg0 : i32
    %mul3A_1 = arith.constant 640 : i32
    %mul3A_2 = arith.muli %arg1, %mul3A_1 : i32
    "tpu.region"() ({
      %run_scoped3A = tpu.sem_alloc : memref<!tpu.dma_semaphore, #tpu.memory_space<semaphore_mem>>
      %dma_start3A = arith.constant 0 : i32
      %dma_start3A_9 = tpu.memref_slice %arg10[%mul3A_2, %dma_start3A] : memref<10240x64xf32, #tpu.memory_space<vmem_shared>> -> memref<640x64xf32, #tpu.memory_space<vmem_shared>>
      %dma_start3A_10 = arith.constant 0 : i32
      %dma_start3A_11 = tpu.memref_slice %arg5[%mul3A_2, %dma_start3A_10] : memref<10240x64xf32, #tpu.memory_space<hbm>> -> memref<640x64xf32, #tpu.memory_space<hbm>>
      tpu.enqueue_dma source(%dma_start3A_11 : memref<640x64xf32, #tpu.memory_space<hbm>>) target(%dma_start3A_9 : memref<640x64xf32, #tpu.memory_space<vmem_shared>>) target_semaphore(%run_scoped3A : memref<!tpu.dma_semaphore, #tpu.memory_space<semaphore_mem>>)
      %dma_wait3A = arith.constant 0 : i32
      %dma_wait3A_12 = tpu.memref_slice %arg10[%mul3A_2, %dma_wait3A] : memref<10240x64xf32, #tpu.memory_space<vmem_shared>> -> memref<640x64xf32, #tpu.memory_space<vmem_shared>>
      %dma_wait3A_13 = arith.constant 0 : i32
      %dma_wait3A_14 = tpu.memref_slice %arg5[%mul3A_2, %dma_wait3A_13] : memref<10240x64xf32, #tpu.memory_space<hbm>> -> memref<640x64xf32, #tpu.memory_space<hbm>>
      tpu.wait_dma2 semaphore(%run_scoped3A : memref<!tpu.dma_semaphore, #tpu.memory_space<semaphore_mem>>) src(%dma_wait3A_14 : memref<640x64xf32, #tpu.memory_space<hbm>>) dst(%dma_wait3A_12 : memref<640x64xf32, #tpu.memory_space<vmem_shared>>)
      tpu.yield
    }) : () -> ()
    %barrier3A = arith.constant 0 : index
    tpu.barrier barrier_id(%barrier3A)
    %scan3A = arith.constant 0 : i32
    %scan3A_3 = arith.constant 0 : i32
    %scan3A_4 = arith.constant 48 : i32
    %scan3A_5 = arith.addi %scan3A_3, %scan3A_4 : i32
    %scan3A_6 = arith.constant 1 : i32
    scf.for %scan3A_9 = %scan3A_3 to %scan3A_5 step %scan3A_6  : i32 {
      "tpu.region"() ({
        %run_scoped3A = tpu.sem_alloc : memref<!tpu.dma_semaphore, #tpu.memory_space<semaphore_mem>>
        %dma_start3A_14 = arith.constant 0 : i32
        %dma_start3A_15 = tpu.memref_slice %arg3[%add3A, %scan3A_9, %dma_start3A_14] : memref<32x48x128xi32, #tpu.memory_space<hbm>> -> memref<1x1x128xi32, #tpu.memory_space<hbm>>
        %dma_start3A_16 = tpu.memref_squeeze %dma_start3A_15 : memref<1x1x128xi32, #tpu.memory_space<hbm>> -> memref<128xi32, #tpu.memory_space<hbm>>
        %dma_start3A_17 = arith.constant 0 : i32
        %dma_start3A_18 = tpu.memref_slice %arg3[%add3A, %scan3A_9, %dma_start3A_17] : memref<32x48x128xi32, #tpu.memory_space<hbm>> -> memref<1x1x128xi32, #tpu.memory_space<hbm>>
        %dma_start3A_19 = tpu.memref_squeeze %dma_start3A_18 : memref<1x1x128xi32, #tpu.memory_space<hbm>> -> memref<128xi32, #tpu.memory_space<hbm>>
        tpu.enqueue_dma source(%dma_start3A_19 : memref<128xi32, #tpu.memory_space<hbm>>) target(%arg7 : memref<128xi32, #tpu.memory_space<vmem>>) target_semaphore(%run_scoped3A : memref<!tpu.dma_semaphore, #tpu.memory_space<semaphore_mem>>)
        %dma_wait3A_20 = arith.constant 0 : i32
        %dma_wait3A_21 = tpu.memref_slice %arg3[%add3A, %scan3A_9, %dma_wait3A_20] : memref<32x48x128xi32, #tpu.memory_space<hbm>> -> memref<1x1x128xi32, #tpu.memory_space<hbm>>
        %dma_wait3A_22 = tpu.memref_squeeze %dma_wait3A_21 : memref<1x1x128xi32, #tpu.memory_space<hbm>> -> memref<128xi32, #tpu.memory_space<hbm>>
        %dma_wait3A_23 = arith.constant 0 : i32
        %dma_wait3A_24 = tpu.memref_slice %arg3[%add3A, %scan3A_9, %dma_wait3A_23] : memref<32x48x128xi32, #tpu.memory_space<hbm>> -> memref<1x1x128xi32, #tpu.memory_space<hbm>>
        %dma_wait3A_25 = tpu.memref_squeeze %dma_wait3A_24 : memref<1x1x128xi32, #tpu.memory_space<hbm>> -> memref<128xi32, #tpu.memory_space<hbm>>
        tpu.wait_dma2 semaphore(%run_scoped3A : memref<!tpu.dma_semaphore, #tpu.memory_space<semaphore_mem>>) src(%dma_wait3A_25 : memref<128xi32, #tpu.memory_space<hbm>>) dst(%arg7 : memref<128xi32, #tpu.memory_space<vmem>>)
        tpu.yield
      }) : () -> ()
      "tpu.region"() ({
        %run_scoped3A = tpu.sem_alloc : memref<!tpu.dma_semaphore, #tpu.memory_space<semaphore_mem>>
        %dma_start3A_14 = arith.constant 0 : i32
        %dma_start3A_15 = tpu.memref_slice %arg4[%add3A, %scan3A_9, %dma_start3A_14] : memref<32x48x128xi32, #tpu.memory_space<hbm>> -> memref<1x1x128xi32, #tpu.memory_space<hbm>>
        %dma_start3A_16 = tpu.memref_squeeze %dma_start3A_15 : memref<1x1x128xi32, #tpu.memory_space<hbm>> -> memref<128xi32, #tpu.memory_space<hbm>>
        %dma_start3A_17 = arith.constant 0 : i32
        %dma_start3A_18 = tpu.memref_slice %arg4[%add3A, %scan3A_9, %dma_start3A_17] : memref<32x48x128xi32, #tpu.memory_space<hbm>> -> memref<1x1x128xi32, #tpu.memory_space<hbm>>
        %dma_start3A_19 = tpu.memref_squeeze %dma_start3A_18 : memref<1x1x128xi32, #tpu.memory_space<hbm>> -> memref<128xi32, #tpu.memory_space<hbm>>
        tpu.enqueue_dma source(%dma_start3A_19 : memref<128xi32, #tpu.memory_space<hbm>>) target(%arg8 : memref<128xi32, #tpu.memory_space<vmem>>) target_semaphore(%run_scoped3A : memref<!tpu.dma_semaphore, #tpu.memory_space<semaphore_mem>>)
        %dma_wait3A_20 = arith.constant 0 : i32
        %dma_wait3A_21 = tpu.memref_slice %arg4[%add3A, %scan3A_9, %dma_wait3A_20] : memref<32x48x128xi32, #tpu.memory_space<hbm>> -> memref<1x1x128xi32, #tpu.memory_space<hbm>>
        %dma_wait3A_22 = tpu.memref_squeeze %dma_wait3A_21 : memref<1x1x128xi32, #tpu.memory_space<hbm>> -> memref<128xi32, #tpu.memory_space<hbm>>
        %dma_wait3A_23 = arith.constant 0 : i32
        %dma_wait3A_24 = tpu.memref_slice %arg4[%add3A, %scan3A_9, %dma_wait3A_23] : memref<32x48x128xi32, #tpu.memory_space<hbm>> -> memref<1x1x128xi32, #tpu.memory_space<hbm>>
        %dma_wait3A_25 = tpu.memref_squeeze %dma_wait3A_24 : memref<1x1x128xi32, #tpu.memory_space<hbm>> -> memref<128xi32, #tpu.memory_space<hbm>>
        tpu.wait_dma2 semaphore(%run_scoped3A : memref<!tpu.dma_semaphore, #tpu.memory_space<semaphore_mem>>) src(%dma_wait3A_25 : memref<128xi32, #tpu.memory_space<hbm>>) dst(%arg8 : memref<128xi32, #tpu.memory_space<vmem>>)
        tpu.yield
      }) : () -> ()
      %dma_start3A = arith.constant 0 : i32
      %dma_start3A_10 = arith.constant 0 : i32
      %dma_start3A_11 = tpu.memref_slice %arg2[%dma_start3A, %dma_start3A_10] : memref<10240x64xf32, #tpu.memory_space<hbm>> -> memref<10240x64xf32, #tpu.memory_space<hbm>>
      tpu.enqueue_indirect_dma source(%dma_start3A_11 : memref<10240x64xf32, #tpu.memory_space<hbm>>) target(%arg9 : memref<128x64xf32, #tpu.memory_space<vmem>>) offsets(%arg7 : memref<128xi32, #tpu.memory_space<vmem>>) semaphore(%arg11 : memref<!tpu.dma_semaphore, #tpu.memory_space<semaphore_mem>>)
      %dma_wait3A = arith.constant 0 : i32
      %dma_wait3A_12 = arith.constant 0 : i32
      %dma_wait3A_13 = tpu.memref_slice %arg2[%dma_wait3A, %dma_wait3A_12] : memref<10240x64xf32, #tpu.memory_space<hbm>> -> memref<10240x64xf32, #tpu.memory_space<hbm>>
      tpu.wait_indirect_dma semaphore(%arg11 : memref<!tpu.dma_semaphore, #tpu.memory_space<semaphore_mem>>) src(%dma_wait3A_13 : memref<10240x64xf32, #tpu.memory_space<hbm>>) dst(%arg9 : memref<128x64xf32, #tpu.memory_space<vmem>>)
      "tpu.region"() ({
        %run_scoped3A = tpu.sem_alloc : memref<!tpu.dma_semaphore, #tpu.memory_space<semaphore_mem>>
        %dma_start3A_14 = arith.constant 0 : i32
        %dma_start3A_15 = arith.constant 0 : i32
        %dma_start3A_16 = tpu.memref_slice %arg10[%dma_start3A_14, %dma_start3A_15] : memref<10240x64xf32, #tpu.memory_space<vmem_shared>> -> memref<10240x64xf32, #tpu.memory_space<vmem_shared>>
        tpu.enqueue_indirect_dma source(%arg9 : memref<128x64xf32, #tpu.memory_space<vmem>>) target(%dma_start3A_16 : memref<10240x64xf32, #tpu.memory_space<vmem_shared>>) offsets(%arg8 : memref<128xi32, #tpu.memory_space<vmem>>) semaphore(%run_scoped3A : memref<!tpu.dma_semaphore, #tpu.memory_space<semaphore_mem>>) {add = true}
        %dma_wait3A_17 = arith.constant 0 : i32
        %dma_wait3A_18 = arith.constant 0 : i32
        %dma_wait3A_19 = tpu.memref_slice %arg10[%dma_wait3A_17, %dma_wait3A_18] : memref<10240x64xf32, #tpu.memory_space<vmem_shared>> -> memref<10240x64xf32, #tpu.memory_space<vmem_shared>>
        tpu.wait_indirect_dma semaphore(%run_scoped3A : memref<!tpu.dma_semaphore, #tpu.memory_space<semaphore_mem>>) src(%arg9 : memref<128x64xf32, #tpu.memory_space<vmem>>) dst(%dma_wait3A_19 : memref<10240x64xf32, #tpu.memory_space<vmem_shared>>)
        tpu.yield
      }) : () -> ()
    }
    %scan3A_7 = arith.constant 48 : i32
    %barrier3A_8 = arith.constant 0 : index
    tpu.barrier barrier_id(%barrier3A_8)
    "tpu.region"() ({
      %run_scoped3A = tpu.sem_alloc : memref<!tpu.dma_semaphore, #tpu.memory_space<semaphore_mem>>
      %dma_start3A = arith.constant 0 : i32
      %dma_start3A_9 = tpu.memref_slice %arg6[%arg0, %mul3A_2, %dma_start3A] : memref<2x10240x64xf32, #tpu.memory_space<hbm>> -> memref<1x640x64xf32, #tpu.memory_space<hbm>>
      %dma_start3A_10 = tpu.memref_squeeze %dma_start3A_9 : memref<1x640x64xf32, #tpu.memory_space<hbm>> -> memref<640x64xf32, #tpu.memory_space<hbm>>
      %dma_start3A_11 = arith.constant 0 : i32
      %dma_start3A_12 = tpu.memref_slice %arg10[%mul3A_2, %dma_start3A_11] : memref<10240x64xf32, #tpu.memory_space<vmem_shared>> -> memref<640x64xf32, #tpu.memory_space<vmem_shared>>
      tpu.enqueue_dma source(%dma_start3A_12 : memref<640x64xf32, #tpu.memory_space<vmem_shared>>) target(%dma_start3A_10 : memref<640x64xf32, #tpu.memory_space<hbm>>) target_semaphore(%run_scoped3A : memref<!tpu.dma_semaphore, #tpu.memory_space<semaphore_mem>>)
      %dma_wait3A = arith.constant 0 : i32
      %dma_wait3A_13 = tpu.memref_slice %arg6[%arg0, %mul3A_2, %dma_wait3A] : memref<2x10240x64xf32, #tpu.memory_space<hbm>> -> memref<1x640x64xf32, #tpu.memory_space<hbm>>
      %dma_wait3A_14 = tpu.memref_squeeze %dma_wait3A_13 : memref<1x640x64xf32, #tpu.memory_space<hbm>> -> memref<640x64xf32, #tpu.memory_space<hbm>>
      %dma_wait3A_15 = arith.constant 0 : i32
      %dma_wait3A_16 = tpu.memref_slice %arg10[%mul3A_2, %dma_wait3A_15] : memref<10240x64xf32, #tpu.memory_space<vmem_shared>> -> memref<640x64xf32, #tpu.memory_space<vmem_shared>>
      tpu.wait_dma2 semaphore(%run_scoped3A : memref<!tpu.dma_semaphore, #tpu.memory_space<semaphore_mem>>) src(%dma_wait3A_16 : memref<640x64xf32, #tpu.memory_space<vmem_shared>>) dst(%dma_wait3A_14 : memref<640x64xf32, #tpu.memory_space<hbm>>)
      tpu.yield
    }) : () -> ()
    return
  }
}

#map = affine_map<(d0, d1) -> (0, 0)>
#map1 = affine_map<(d0, d1) -> (0, 0, 0)>
module attributes {stable_mosaic.version = 14 : i64} {
  func.func @_msgpass(%arg0: i32, %arg1: i32, %arg2: memref<10240x32xf32, #tpu.memory_space<hbm>>, %arg3: memref<32x48x128xi32, #tpu.memory_space<hbm>>, %arg4: memref<32x48x128xi32, #tpu.memory_space<hbm>>, %arg5: memref<10240x32xf32, #tpu.memory_space<hbm>>, %arg6: memref<2x10240x32xf32, #tpu.memory_space<hbm>>, %arg7: memref<128xi32, #tpu.memory_space<vmem>>, %arg8: memref<128xi32, #tpu.memory_space<vmem>>, %arg9: memref<128x32xf32, #tpu.memory_space<vmem>>, %arg10: memref<10240x32xf32, #tpu.memory_space<vmem_shared>>, %arg11: memref<!tpu.dma_semaphore, #tpu.memory_space<semaphore_mem>>) attributes {dimension_semantics = [#tpu.dimension_semantics<core_parallel>, #tpu.dimension_semantics<subcore_parallel>], iteration_bounds = array<i64: 2, 16>, scalar_prefetch = 0 : i64, scratch_operands = 5 : i64, tpu.core_type = #tpu.core_type<sc_vector_subcore>, window_params = [{transform_indices = #map}, {transform_indices = #map1}, {transform_indices = #map1}, {transform_indices = #map}, {transform_indices = #map1}]} {
    %mul3A = arith.constant 2 : i32
    %mul3A_0 = arith.muli %arg1, %mul3A : i32
    %add3A = arith.addi %mul3A_0, %arg0 : i32
    %mul3A_1 = arith.constant 640 : i32
    %mul3A_2 = arith.muli %arg1, %mul3A_1 : i32
    "tpu.region"() ({
      %run_scoped3A = tpu.sem_alloc : memref<!tpu.dma_semaphore, #tpu.memory_space<semaphore_mem>>
      %dma_start3A = arith.constant 0 : i32
      %dma_start3A_9 = tpu.memref_slice %arg10[%mul3A_2, %dma_start3A] : memref<10240x32xf32, #tpu.memory_space<vmem_shared>> -> memref<640x32xf32, #tpu.memory_space<vmem_shared>>
      %dma_start3A_10 = arith.constant 0 : i32
      %dma_start3A_11 = tpu.memref_slice %arg5[%mul3A_2, %dma_start3A_10] : memref<10240x32xf32, #tpu.memory_space<hbm>> -> memref<640x32xf32, #tpu.memory_space<hbm>>
      tpu.enqueue_dma source(%dma_start3A_11 : memref<640x32xf32, #tpu.memory_space<hbm>>) target(%dma_start3A_9 : memref<640x32xf32, #tpu.memory_space<vmem_shared>>) target_semaphore(%run_scoped3A : memref<!tpu.dma_semaphore, #tpu.memory_space<semaphore_mem>>)
      %dma_wait3A = arith.constant 0 : i32
      %dma_wait3A_12 = tpu.memref_slice %arg10[%mul3A_2, %dma_wait3A] : memref<10240x32xf32, #tpu.memory_space<vmem_shared>> -> memref<640x32xf32, #tpu.memory_space<vmem_shared>>
      %dma_wait3A_13 = arith.constant 0 : i32
      %dma_wait3A_14 = tpu.memref_slice %arg5[%mul3A_2, %dma_wait3A_13] : memref<10240x32xf32, #tpu.memory_space<hbm>> -> memref<640x32xf32, #tpu.memory_space<hbm>>
      tpu.wait_dma2 semaphore(%run_scoped3A : memref<!tpu.dma_semaphore, #tpu.memory_space<semaphore_mem>>) src(%dma_wait3A_14 : memref<640x32xf32, #tpu.memory_space<hbm>>) dst(%dma_wait3A_12 : memref<640x32xf32, #tpu.memory_space<vmem_shared>>)
      tpu.yield
    }) : () -> ()
    %barrier3A = arith.constant 0 : index
    tpu.barrier barrier_id(%barrier3A)
    %scan3A = arith.constant 0 : i32
    %scan3A_3 = arith.constant 0 : i32
    %scan3A_4 = arith.constant 48 : i32
    %scan3A_5 = arith.addi %scan3A_3, %scan3A_4 : i32
    %scan3A_6 = arith.constant 1 : i32
    scf.for %scan3A_9 = %scan3A_3 to %scan3A_5 step %scan3A_6  : i32 {
      "tpu.region"() ({
        %run_scoped3A = tpu.sem_alloc : memref<!tpu.dma_semaphore, #tpu.memory_space<semaphore_mem>>
        %dma_start3A_14 = arith.constant 0 : i32
        %dma_start3A_15 = tpu.memref_slice %arg3[%add3A, %scan3A_9, %dma_start3A_14] : memref<32x48x128xi32, #tpu.memory_space<hbm>> -> memref<1x1x128xi32, #tpu.memory_space<hbm>>
        %dma_start3A_16 = tpu.memref_squeeze %dma_start3A_15 : memref<1x1x128xi32, #tpu.memory_space<hbm>> -> memref<128xi32, #tpu.memory_space<hbm>>
        %dma_start3A_17 = arith.constant 0 : i32
        %dma_start3A_18 = tpu.memref_slice %arg3[%add3A, %scan3A_9, %dma_start3A_17] : memref<32x48x128xi32, #tpu.memory_space<hbm>> -> memref<1x1x128xi32, #tpu.memory_space<hbm>>
        %dma_start3A_19 = tpu.memref_squeeze %dma_start3A_18 : memref<1x1x128xi32, #tpu.memory_space<hbm>> -> memref<128xi32, #tpu.memory_space<hbm>>
        tpu.enqueue_dma source(%dma_start3A_19 : memref<128xi32, #tpu.memory_space<hbm>>) target(%arg7 : memref<128xi32, #tpu.memory_space<vmem>>) target_semaphore(%run_scoped3A : memref<!tpu.dma_semaphore, #tpu.memory_space<semaphore_mem>>)
        %dma_wait3A_20 = arith.constant 0 : i32
        %dma_wait3A_21 = tpu.memref_slice %arg3[%add3A, %scan3A_9, %dma_wait3A_20] : memref<32x48x128xi32, #tpu.memory_space<hbm>> -> memref<1x1x128xi32, #tpu.memory_space<hbm>>
        %dma_wait3A_22 = tpu.memref_squeeze %dma_wait3A_21 : memref<1x1x128xi32, #tpu.memory_space<hbm>> -> memref<128xi32, #tpu.memory_space<hbm>>
        %dma_wait3A_23 = arith.constant 0 : i32
        %dma_wait3A_24 = tpu.memref_slice %arg3[%add3A, %scan3A_9, %dma_wait3A_23] : memref<32x48x128xi32, #tpu.memory_space<hbm>> -> memref<1x1x128xi32, #tpu.memory_space<hbm>>
        %dma_wait3A_25 = tpu.memref_squeeze %dma_wait3A_24 : memref<1x1x128xi32, #tpu.memory_space<hbm>> -> memref<128xi32, #tpu.memory_space<hbm>>
        tpu.wait_dma2 semaphore(%run_scoped3A : memref<!tpu.dma_semaphore, #tpu.memory_space<semaphore_mem>>) src(%dma_wait3A_25 : memref<128xi32, #tpu.memory_space<hbm>>) dst(%arg7 : memref<128xi32, #tpu.memory_space<vmem>>)
        tpu.yield
      }) : () -> ()
      "tpu.region"() ({
        %run_scoped3A = tpu.sem_alloc : memref<!tpu.dma_semaphore, #tpu.memory_space<semaphore_mem>>
        %dma_start3A_14 = arith.constant 0 : i32
        %dma_start3A_15 = tpu.memref_slice %arg4[%add3A, %scan3A_9, %dma_start3A_14] : memref<32x48x128xi32, #tpu.memory_space<hbm>> -> memref<1x1x128xi32, #tpu.memory_space<hbm>>
        %dma_start3A_16 = tpu.memref_squeeze %dma_start3A_15 : memref<1x1x128xi32, #tpu.memory_space<hbm>> -> memref<128xi32, #tpu.memory_space<hbm>>
        %dma_start3A_17 = arith.constant 0 : i32
        %dma_start3A_18 = tpu.memref_slice %arg4[%add3A, %scan3A_9, %dma_start3A_17] : memref<32x48x128xi32, #tpu.memory_space<hbm>> -> memref<1x1x128xi32, #tpu.memory_space<hbm>>
        %dma_start3A_19 = tpu.memref_squeeze %dma_start3A_18 : memref<1x1x128xi32, #tpu.memory_space<hbm>> -> memref<128xi32, #tpu.memory_space<hbm>>
        tpu.enqueue_dma source(%dma_start3A_19 : memref<128xi32, #tpu.memory_space<hbm>>) target(%arg8 : memref<128xi32, #tpu.memory_space<vmem>>) target_semaphore(%run_scoped3A : memref<!tpu.dma_semaphore, #tpu.memory_space<semaphore_mem>>)
        %dma_wait3A_20 = arith.constant 0 : i32
        %dma_wait3A_21 = tpu.memref_slice %arg4[%add3A, %scan3A_9, %dma_wait3A_20] : memref<32x48x128xi32, #tpu.memory_space<hbm>> -> memref<1x1x128xi32, #tpu.memory_space<hbm>>
        %dma_wait3A_22 = tpu.memref_squeeze %dma_wait3A_21 : memref<1x1x128xi32, #tpu.memory_space<hbm>> -> memref<128xi32, #tpu.memory_space<hbm>>
        %dma_wait3A_23 = arith.constant 0 : i32
        %dma_wait3A_24 = tpu.memref_slice %arg4[%add3A, %scan3A_9, %dma_wait3A_23] : memref<32x48x128xi32, #tpu.memory_space<hbm>> -> memref<1x1x128xi32, #tpu.memory_space<hbm>>
        %dma_wait3A_25 = tpu.memref_squeeze %dma_wait3A_24 : memref<1x1x128xi32, #tpu.memory_space<hbm>> -> memref<128xi32, #tpu.memory_space<hbm>>
        tpu.wait_dma2 semaphore(%run_scoped3A : memref<!tpu.dma_semaphore, #tpu.memory_space<semaphore_mem>>) src(%dma_wait3A_25 : memref<128xi32, #tpu.memory_space<hbm>>) dst(%arg8 : memref<128xi32, #tpu.memory_space<vmem>>)
        tpu.yield
      }) : () -> ()
      %dma_start3A = arith.constant 0 : i32
      %dma_start3A_10 = arith.constant 0 : i32
      %dma_start3A_11 = tpu.memref_slice %arg2[%dma_start3A, %dma_start3A_10] : memref<10240x32xf32, #tpu.memory_space<hbm>> -> memref<10240x32xf32, #tpu.memory_space<hbm>>
      tpu.enqueue_indirect_dma source(%dma_start3A_11 : memref<10240x32xf32, #tpu.memory_space<hbm>>) target(%arg9 : memref<128x32xf32, #tpu.memory_space<vmem>>) offsets(%arg7 : memref<128xi32, #tpu.memory_space<vmem>>) semaphore(%arg11 : memref<!tpu.dma_semaphore, #tpu.memory_space<semaphore_mem>>)
      %dma_wait3A = arith.constant 0 : i32
      %dma_wait3A_12 = arith.constant 0 : i32
      %dma_wait3A_13 = tpu.memref_slice %arg2[%dma_wait3A, %dma_wait3A_12] : memref<10240x32xf32, #tpu.memory_space<hbm>> -> memref<10240x32xf32, #tpu.memory_space<hbm>>
      tpu.wait_indirect_dma semaphore(%arg11 : memref<!tpu.dma_semaphore, #tpu.memory_space<semaphore_mem>>) src(%dma_wait3A_13 : memref<10240x32xf32, #tpu.memory_space<hbm>>) dst(%arg9 : memref<128x32xf32, #tpu.memory_space<vmem>>)
      "tpu.region"() ({
        %run_scoped3A = tpu.sem_alloc : memref<!tpu.dma_semaphore, #tpu.memory_space<semaphore_mem>>
        %dma_start3A_14 = arith.constant 0 : i32
        %dma_start3A_15 = arith.constant 0 : i32
        %dma_start3A_16 = tpu.memref_slice %arg10[%dma_start3A_14, %dma_start3A_15] : memref<10240x32xf32, #tpu.memory_space<vmem_shared>> -> memref<10240x32xf32, #tpu.memory_space<vmem_shared>>
        tpu.enqueue_indirect_dma source(%arg9 : memref<128x32xf32, #tpu.memory_space<vmem>>) target(%dma_start3A_16 : memref<10240x32xf32, #tpu.memory_space<vmem_shared>>) offsets(%arg8 : memref<128xi32, #tpu.memory_space<vmem>>) semaphore(%run_scoped3A : memref<!tpu.dma_semaphore, #tpu.memory_space<semaphore_mem>>) {add = true}
        %dma_wait3A_17 = arith.constant 0 : i32
        %dma_wait3A_18 = arith.constant 0 : i32
        %dma_wait3A_19 = tpu.memref_slice %arg10[%dma_wait3A_17, %dma_wait3A_18] : memref<10240x32xf32, #tpu.memory_space<vmem_shared>> -> memref<10240x32xf32, #tpu.memory_space<vmem_shared>>
        tpu.wait_indirect_dma semaphore(%run_scoped3A : memref<!tpu.dma_semaphore, #tpu.memory_space<semaphore_mem>>) src(%arg9 : memref<128x32xf32, #tpu.memory_space<vmem>>) dst(%dma_wait3A_19 : memref<10240x32xf32, #tpu.memory_space<vmem_shared>>)
        tpu.yield
      }) : () -> ()
    }
    %scan3A_7 = arith.constant 48 : i32
    %barrier3A_8 = arith.constant 0 : index
    tpu.barrier barrier_id(%barrier3A_8)
    "tpu.region"() ({
      %run_scoped3A = tpu.sem_alloc : memref<!tpu.dma_semaphore, #tpu.memory_space<semaphore_mem>>
      %dma_start3A = arith.constant 0 : i32
      %dma_start3A_9 = tpu.memref_slice %arg6[%arg0, %mul3A_2, %dma_start3A] : memref<2x10240x32xf32, #tpu.memory_space<hbm>> -> memref<1x640x32xf32, #tpu.memory_space<hbm>>
      %dma_start3A_10 = tpu.memref_squeeze %dma_start3A_9 : memref<1x640x32xf32, #tpu.memory_space<hbm>> -> memref<640x32xf32, #tpu.memory_space<hbm>>
      %dma_start3A_11 = arith.constant 0 : i32
      %dma_start3A_12 = tpu.memref_slice %arg10[%mul3A_2, %dma_start3A_11] : memref<10240x32xf32, #tpu.memory_space<vmem_shared>> -> memref<640x32xf32, #tpu.memory_space<vmem_shared>>
      tpu.enqueue_dma source(%dma_start3A_12 : memref<640x32xf32, #tpu.memory_space<vmem_shared>>) target(%dma_start3A_10 : memref<640x32xf32, #tpu.memory_space<hbm>>) target_semaphore(%run_scoped3A : memref<!tpu.dma_semaphore, #tpu.memory_space<semaphore_mem>>)
      %dma_wait3A = arith.constant 0 : i32
      %dma_wait3A_13 = tpu.memref_slice %arg6[%arg0, %mul3A_2, %dma_wait3A] : memref<2x10240x32xf32, #tpu.memory_space<hbm>> -> memref<1x640x32xf32, #tpu.memory_space<hbm>>
      %dma_wait3A_14 = tpu.memref_squeeze %dma_wait3A_13 : memref<1x640x32xf32, #tpu.memory_space<hbm>> -> memref<640x32xf32, #tpu.memory_space<hbm>>
      %dma_wait3A_15 = arith.constant 0 : i32
      %dma_wait3A_16 = tpu.memref_slice %arg10[%mul3A_2, %dma_wait3A_15] : memref<10240x32xf32, #tpu.memory_space<vmem_shared>> -> memref<640x32xf32, #tpu.memory_space<vmem_shared>>
      tpu.wait_dma2 semaphore(%run_scoped3A : memref<!tpu.dma_semaphore, #tpu.memory_space<semaphore_mem>>) src(%dma_wait3A_16 : memref<640x32xf32, #tpu.memory_space<vmem_shared>>) dst(%dma_wait3A_14 : memref<640x32xf32, #tpu.memory_space<hbm>>)
      tpu.yield
    }) : () -> ()
    return
  }
}

module attributes {stable_mosaic.version = 14 : i64} {
  func.func @_norms_body(%arg0: memref<2x2x80x128xf32, #tpu.memory_space<vmem>>, %arg1: memref<2x80x128xf32, #tpu.memory_space<vmem>>) attributes {dimension_semantics = [], scalar_prefetch = 0 : i64, scratch_operands = 0 : i64, tpu.core_type = #tpu.core_type<tc>} {
    %get3A = arith.constant 0 : index
    %get3A_0 = arith.constant 0 : index
    %get3A_1 = arith.constant 0 : index
    %get3A_2 = arith.constant 0 : index
    %get3A_3 = vector.load %arg0[%get3A, %get3A_0, %get3A_1, %get3A_2] : memref<2x2x80x128xf32, #tpu.memory_space<vmem>>, vector<2x2x80x128xf32>
    %slice3A = vector.extract_strided_slice %get3A_3 {offsets = [0, 0, 0, 0], sizes = [1, 1, 80, 128], strides = [1, 1, 1, 1]} : vector<2x2x80x128xf32> to vector<1x1x80x128xf32>
    %squeeze3A = vector.shape_cast %slice3A : vector<1x1x80x128xf32> to vector<80x128xf32>
    %slice3A_4 = vector.extract_strided_slice %get3A_3 {offsets = [1, 0, 0, 0], sizes = [1, 1, 80, 128], strides = [1, 1, 1, 1]} : vector<2x2x80x128xf32> to vector<1x1x80x128xf32>
    %squeeze3A_5 = vector.shape_cast %slice3A_4 : vector<1x1x80x128xf32> to vector<80x128xf32>
    %add3A = arith.addf %squeeze3A, %squeeze3A_5 : vector<80x128xf32>
    %slice3A_6 = vector.extract_strided_slice %get3A_3 {offsets = [0, 1, 0, 0], sizes = [1, 1, 80, 128], strides = [1, 1, 1, 1]} : vector<2x2x80x128xf32> to vector<1x1x80x128xf32>
    %squeeze3A_7 = vector.shape_cast %slice3A_6 : vector<1x1x80x128xf32> to vector<80x128xf32>
    %slice3A_8 = vector.extract_strided_slice %get3A_3 {offsets = [1, 1, 0, 0], sizes = [1, 1, 80, 128], strides = [1, 1, 1, 1]} : vector<2x2x80x128xf32> to vector<1x1x80x128xf32>
    %squeeze3A_9 = vector.shape_cast %slice3A_8 : vector<1x1x80x128xf32> to vector<80x128xf32>
    %add3A_10 = arith.addf %squeeze3A_7, %squeeze3A_9 : vector<80x128xf32>
    %max3A = arith.constant 1.000000e+00 : f32
    %max3A_11 = vector.broadcast %max3A : f32 to vector<80x128xf32>
    %max3A_12 = arith.maximumf %add3A, %max3A_11 : vector<80x128xf32>
    %sqrt3A = math.sqrt %max3A_12 : vector<80x128xf32>
    %div3A = arith.constant 1.000000e+00 : f32
    %div3A_13 = vector.broadcast %div3A : f32 to vector<80x128xf32>
    %div3A_14 = arith.divf %div3A_13, %sqrt3A : vector<80x128xf32>
    %swap3A = arith.constant 0 : index
    %swap3A_15 = arith.constant 0 : index
    %swap3A_16 = arith.constant 0 : index
    %swap3A_17 = vector.load %arg1[%swap3A, %swap3A_15, %swap3A_16] : memref<2x80x128xf32, #tpu.memory_space<vmem>>, vector<1x80x128xf32>
    %swap3A_18 = vector.shape_cast %swap3A_17 : vector<1x80x128xf32> to vector<80x128xf32>
    %swap3A_19 = vector.shape_cast %div3A_14 : vector<80x128xf32> to vector<1x80x128xf32>
    tpu.vector_store %arg1[%swap3A, %swap3A_15, %swap3A_16], %swap3A_19 {strides = array<i32>} : memref<2x80x128xf32, #tpu.memory_space<vmem>>, vector<1x80x128xf32>,
    %max3A_20 = arith.constant 1.000000e+00 : f32
    %max3A_21 = vector.broadcast %max3A_20 : f32 to vector<80x128xf32>
    %max3A_22 = arith.maximumf %add3A_10, %max3A_21 : vector<80x128xf32>
    %sqrt3A_23 = math.sqrt %max3A_22 : vector<80x128xf32>
    %div3A_24 = arith.constant 1.000000e+00 : f32
    %div3A_25 = vector.broadcast %div3A_24 : f32 to vector<80x128xf32>
    %div3A_26 = arith.divf %div3A_25, %sqrt3A_23 : vector<80x128xf32>
    %swap3A_27 = arith.constant 1 : index
    %swap3A_28 = arith.constant 0 : index
    %swap3A_29 = arith.constant 0 : index
    %swap3A_30 = vector.load %arg1[%swap3A_27, %swap3A_28, %swap3A_29] : memref<2x80x128xf32, #tpu.memory_space<vmem>>, vector<1x80x128xf32>
    %swap3A_31 = vector.shape_cast %swap3A_30 : vector<1x80x128xf32> to vector<80x128xf32>
    %swap3A_32 = vector.shape_cast %div3A_26 : vector<80x128xf32> to vector<1x80x128xf32>
    tpu.vector_store %arg1[%swap3A_27, %swap3A_28, %swap3A_29], %swap3A_32 {strides = array<i32>} : memref<2x80x128xf32, #tpu.memory_space<vmem>>, vector<1x80x128xf32>,
    return
  }
}

module attributes {stable_mosaic.version = 14 : i64} {
  func.func @_dense_body(%arg0: i32, %arg1: memref<640x128xf32, #tpu.memory_space<vmem>>, %arg2: memref<128x64xf32, #tpu.memory_space<vmem>>, %arg3: memref<640x1xf32, #tpu.memory_space<vmem>>, %arg4: memref<640x64xf32, #tpu.memory_space<vmem>>) attributes {dimension_semantics = [#tpu.dimension_semantics<arbitrary>], iteration_bounds = array<i64: 16>, scalar_prefetch = 0 : i64, scratch_operands = 0 : i64, tpu.core_type = #tpu.core_type<tc>, window_params = [{transform_indices = @transform_0, window_bounds = array<i64: 640, 128>}, {pipeline_mode = #tpu.pipeline_mode<synchronous>, transform_indices = @transform_1, window_bounds = array<i64: 128, 64>}, {transform_indices = @transform_2, window_bounds = array<i64: 640, 1>}, {transform_indices = @transform_3, window_bounds = array<i64: 640, 64>}]} {
    %get3A = arith.constant 0 : index
    %get3A_0 = arith.constant 0 : index
    %get3A_1 = vector.load %arg1[%get3A, %get3A_0] : memref<640x128xf32, #tpu.memory_space<vmem>>, vector<640x128xf32>
    %get3A_2 = arith.constant 0 : index
    %get3A_3 = arith.constant 0 : index
    %get3A_4 = vector.load %arg2[%get3A_2, %get3A_3] : memref<128x64xf32, #tpu.memory_space<vmem>>, vector<128x64xf32>
    %dot_general3A = arith.constant dense<0.000000e+00> : vector<640x64xf32>
    %dot_general3A_5 = tpu.matmul %get3A_1, %get3A_4, %dot_general3A {dimension_numbers = #tpu.dot_dimension_numbers<[1], [0], [0], [1], [0, 0, 1, 1], [], []>, transpose_lhs_hint = false} : vector<640x128xf32>, vector<128x64xf32>, vector<640x64xf32> -> vector<640x64xf32>
    %get3A_6 = arith.constant 0 : index
    %get3A_7 = arith.constant 0 : index
    %get3A_8 = vector.load %arg3[%get3A_6, %get3A_7] : memref<640x1xf32, #tpu.memory_space<vmem>>, vector<640x1xf32>
    %mul3A = vector.broadcast %get3A_8 : vector<640x1xf32> to vector<640x64xf32>
    %mul3A_9 = arith.mulf %dot_general3A_5, %mul3A : vector<640x64xf32>
    %swap3A = arith.constant 0 : index
    %swap3A_10 = arith.constant 0 : index
    %swap3A_11 = vector.load %arg4[%swap3A, %swap3A_10] : memref<640x64xf32, #tpu.memory_space<vmem>>, vector<640x64xf32>
    tpu.vector_store %arg4[%swap3A, %swap3A_10], %mul3A_9 {strides = array<i32>} : memref<640x64xf32, #tpu.memory_space<vmem>>, vector<640x64xf32>,
    return
  }
  func.func @transform_0(%arg0: i32) -> (i32, i32) {
    %c0_i32 = arith.constant 0 : i32
    %c0_i32_0 = arith.constant 0 : i32
    return %arg0, %c0_i32 : i32, i32
  }
  func.func @transform_1(%arg0: i32) -> (i32, i32) {
    %c0_i32 = arith.constant 0 : i32
    %c0_i32_0 = arith.constant 0 : i32
    %c0_i32_1 = arith.constant 0 : i32
    return %c0_i32, %c0_i32_0 : i32, i32
  }
  func.func @transform_2(%arg0: i32) -> (i32, i32) {
    %c0_i32 = arith.constant 0 : i32
    %c0_i32_0 = arith.constant 0 : i32
    return %arg0, %c0_i32 : i32, i32
  }
  func.func @transform_3(%arg0: i32) -> (i32, i32) {
    %c0_i32 = arith.constant 0 : i32
    %c0_i32_0 = arith.constant 0 : i32
    return %arg0, %c0_i32 : i32, i32
  }
}

module attributes {stable_mosaic.version = 14 : i64} {
  func.func @_pre_bn_body(%arg0: memref<2x10240x64xf32, #tpu.memory_space<vmem>>, %arg1: memref<10240x1xf32, #tpu.memory_space<vmem>>, %arg2: memref<1x64xf32, #tpu.memory_space<vmem>>, %arg3: memref<10240x64xf32, #tpu.memory_space<vmem>>) attributes {dimension_semantics = [], scalar_prefetch = 0 : i64, scratch_operands = 0 : i64, tpu.core_type = #tpu.core_type<tc>} {
    %get3A = arith.constant 0 : index
    %get3A_0 = arith.constant 0 : index
    %get3A_1 = arith.constant 0 : index
    %get3A_2 = vector.load %arg0[%get3A, %get3A_0, %get3A_1] : memref<2x10240x64xf32, #tpu.memory_space<vmem>>, vector<1x10240x64xf32>
    %get3A_3 = vector.shape_cast %get3A_2 : vector<1x10240x64xf32> to vector<10240x64xf32>
    %get3A_4 = arith.constant 1 : index
    %get3A_5 = arith.constant 0 : index
    %get3A_6 = arith.constant 0 : index
    %get3A_7 = vector.load %arg0[%get3A_4, %get3A_5, %get3A_6] : memref<2x10240x64xf32, #tpu.memory_space<vmem>>, vector<1x10240x64xf32>
    %get3A_8 = vector.shape_cast %get3A_7 : vector<1x10240x64xf32> to vector<10240x64xf32>
    %add3A = arith.addf %get3A_3, %get3A_8 : vector<10240x64xf32>
    %get3A_9 = arith.constant 0 : index
    %get3A_10 = arith.constant 0 : index
    %get3A_11 = vector.load %arg1[%get3A_9, %get3A_10] : memref<10240x1xf32, #tpu.memory_space<vmem>>, vector<10240x1xf32>
    %mul3A = vector.broadcast %get3A_11 : vector<10240x1xf32> to vector<10240x64xf32>
    %mul3A_12 = arith.mulf %add3A, %mul3A : vector<10240x64xf32>
    %get3A_13 = arith.constant 0 : index
    %get3A_14 = arith.constant 0 : index
    %get3A_15 = vector.load %arg2[%get3A_13, %get3A_14] : memref<1x64xf32, #tpu.memory_space<vmem>>, vector<1x64xf32>
    %add3A_16 = vector.broadcast %get3A_15 : vector<1x64xf32> to vector<10240x64xf32>
    %add3A_17 = arith.addf %mul3A_12, %add3A_16 : vector<10240x64xf32>
    %max3A = arith.constant 0.000000e+00 : f32
    %max3A_18 = vector.broadcast %max3A : f32 to vector<10240x64xf32>
    %max3A_19 = arith.maximumf %add3A_17, %max3A_18 : vector<10240x64xf32>
    %swap3A = arith.constant 0 : index
    %swap3A_20 = arith.constant 0 : index
    %swap3A_21 = vector.load %arg3[%swap3A, %swap3A_20] : memref<10240x64xf32, #tpu.memory_space<vmem>>, vector<10240x64xf32>
    tpu.vector_store %arg3[%swap3A, %swap3A_20], %max3A_19 {strides = array<i32>} : memref<10240x64xf32, #tpu.memory_space<vmem>>, vector<10240x64xf32>,
    return
  }
}

module attributes {stable_mosaic.version = 14 : i64} {
  func.func @_bn_apply_body(%arg0: memref<10240x64xf32, #tpu.memory_space<vmem>>, %arg1: memref<1x64xf32, #tpu.memory_space<vmem>>, %arg2: memref<1x64xf32, #tpu.memory_space<vmem>>, %arg3: memref<1x64xf32, #tpu.memory_space<vmem>>, %arg4: memref<1x64xf32, #tpu.memory_space<vmem>>, %arg5: memref<10240x64xf32, #tpu.memory_space<vmem>>) attributes {dimension_semantics = [], scalar_prefetch = 0 : i64, scratch_operands = 0 : i64, tpu.core_type = #tpu.core_type<tc>} {
    %get3A = arith.constant 0 : index
    %get3A_0 = arith.constant 0 : index
    %get3A_1 = vector.load %arg0[%get3A, %get3A_0] : memref<10240x64xf32, #tpu.memory_space<vmem>>, vector<10000x64xf32>
    %get3A_2 = arith.constant 0 : index
    %get3A_3 = arith.constant 0 : index
    %get3A_4 = vector.load %arg3[%get3A_2, %get3A_3] : memref<1x64xf32, #tpu.memory_space<vmem>>, vector<1x64xf32>
    %get3A_5 = arith.constant 0 : index
    %get3A_6 = arith.constant 0 : index
    %get3A_7 = vector.load %arg1[%get3A_5, %get3A_6] : memref<1x64xf32, #tpu.memory_space<vmem>>, vector<1x64xf32>
    %sub3A = vector.broadcast %get3A_7 : vector<1x64xf32> to vector<10000x64xf32>
    %sub3A_8 = arith.subf %get3A_1, %sub3A : vector<10000x64xf32>
    %mul3A = vector.broadcast %get3A_4 : vector<1x64xf32> to vector<10000x64xf32>
    %mul3A_9 = arith.mulf %mul3A, %sub3A_8 : vector<10000x64xf32>
    %get3A_10 = arith.constant 0 : index
    %get3A_11 = arith.constant 0 : index
    %get3A_12 = vector.load %arg2[%get3A_10, %get3A_11] : memref<1x64xf32, #tpu.memory_space<vmem>>, vector<1x64xf32>
    %add3A = arith.constant 9.99999974E-6 : f32
    %add3A_13 = vector.broadcast %add3A : f32 to vector<1x64xf32>
    %add3A_14 = arith.addf %get3A_12, %add3A_13 : vector<1x64xf32>
    %sqrt3A = math.sqrt %add3A_14 : vector<1x64xf32>
    %div3A = vector.broadcast %sqrt3A : vector<1x64xf32> to vector<10000x64xf32>
    %div3A_15 = arith.divf %mul3A_9, %div3A : vector<10000x64xf32>
    %get3A_16 = arith.constant 0 : index
    %get3A_17 = arith.constant 0 : index
    %get3A_18 = vector.load %arg4[%get3A_16, %get3A_17] : memref<1x64xf32, #tpu.memory_space<vmem>>, vector<1x64xf32>
    %add3A_19 = vector.broadcast %get3A_18 : vector<1x64xf32> to vector<10000x64xf32>
    %add3A_20 = arith.addf %div3A_15, %add3A_19 : vector<10000x64xf32>
    %broadcast_in_dim3A = arith.constant 0.000000e+00 : f32
    %broadcast_in_dim3A_21 = vector.broadcast %broadcast_in_dim3A : f32 to vector<240x64xf32>
    %concatenate3A = tpu.concatenate %add3A_20, %broadcast_in_dim3A_21 in 0 : vector<10000x64xf32>, vector<240x64xf32> -> vector<10240x64xf32>
    %swap3A = arith.constant 0 : index
    %swap3A_22 = arith.constant 0 : index
    %swap3A_23 = vector.load %arg5[%swap3A, %swap3A_22] : memref<10240x64xf32, #tpu.memory_space<vmem>>, vector<10240x64xf32>
    tpu.vector_store %arg5[%swap3A, %swap3A_22], %concatenate3A {strides = array<i32>} : memref<10240x64xf32, #tpu.memory_space<vmem>>, vector<10240x64xf32>,
    return
  }
}

module attributes {stable_mosaic.version = 14 : i64} {
  func.func @_dense_body(%arg0: i32, %arg1: memref<640x64xf32, #tpu.memory_space<vmem>>, %arg2: memref<64x32xf32, #tpu.memory_space<vmem>>, %arg3: memref<640x1xf32, #tpu.memory_space<vmem>>, %arg4: memref<640x32xf32, #tpu.memory_space<vmem>>) attributes {dimension_semantics = [#tpu.dimension_semantics<arbitrary>], iteration_bounds = array<i64: 16>, scalar_prefetch = 0 : i64, scratch_operands = 0 : i64, tpu.core_type = #tpu.core_type<tc>, window_params = [{transform_indices = @transform_0, window_bounds = array<i64: 640, 64>}, {pipeline_mode = #tpu.pipeline_mode<synchronous>, transform_indices = @transform_1, window_bounds = array<i64: 64, 32>}, {transform_indices = @transform_2, window_bounds = array<i64: 640, 1>}, {transform_indices = @transform_3, window_bounds = array<i64: 640, 32>}]} {
    %get3A = arith.constant 0 : index
    %get3A_0 = arith.constant 0 : index
    %get3A_1 = vector.load %arg1[%get3A, %get3A_0] : memref<640x64xf32, #tpu.memory_space<vmem>>, vector<640x64xf32>
    %get3A_2 = arith.constant 0 : index
    %get3A_3 = arith.constant 0 : index
    %get3A_4 = vector.load %arg2[%get3A_2, %get3A_3] : memref<64x32xf32, #tpu.memory_space<vmem>>, vector<64x32xf32>
    %dot_general3A = arith.constant dense<0.000000e+00> : vector<640x32xf32>
    %dot_general3A_5 = tpu.matmul %get3A_1, %get3A_4, %dot_general3A {dimension_numbers = #tpu.dot_dimension_numbers<[1], [0], [0], [1], [0, 0, 1, 1], [], []>, transpose_lhs_hint = false} : vector<640x64xf32>, vector<64x32xf32>, vector<640x32xf32> -> vector<640x32xf32>
    %get3A_6 = arith.constant 0 : index
    %get3A_7 = arith.constant 0 : index
    %get3A_8 = vector.load %arg3[%get3A_6, %get3A_7] : memref<640x1xf32, #tpu.memory_space<vmem>>, vector<640x1xf32>
    %mul3A = vector.broadcast %get3A_8 : vector<640x1xf32> to vector<640x32xf32>
    %mul3A_9 = arith.mulf %dot_general3A_5, %mul3A : vector<640x32xf32>
    %swap3A = arith.constant 0 : index
    %swap3A_10 = arith.constant 0 : index
    %swap3A_11 = vector.load %arg4[%swap3A, %swap3A_10] : memref<640x32xf32, #tpu.memory_space<vmem>>, vector<640x32xf32>
    tpu.vector_store %arg4[%swap3A, %swap3A_10], %mul3A_9 {strides = array<i32>} : memref<640x32xf32, #tpu.memory_space<vmem>>, vector<640x32xf32>,
    return
  }
  func.func @transform_0(%arg0: i32) -> (i32, i32) {
    %c0_i32 = arith.constant 0 : i32
    %c0_i32_0 = arith.constant 0 : i32
    return %arg0, %c0_i32 : i32, i32
  }
  func.func @transform_1(%arg0: i32) -> (i32, i32) {
    %c0_i32 = arith.constant 0 : i32
    %c0_i32_0 = arith.constant 0 : i32
    %c0_i32_1 = arith.constant 0 : i32
    return %c0_i32, %c0_i32_0 : i32, i32
  }
  func.func @transform_2(%arg0: i32) -> (i32, i32) {
    %c0_i32 = arith.constant 0 : i32
    %c0_i32_0 = arith.constant 0 : i32
    return %arg0, %c0_i32 : i32, i32
  }
  func.func @transform_3(%arg0: i32) -> (i32, i32) {
    %c0_i32 = arith.constant 0 : i32
    %c0_i32_0 = arith.constant 0 : i32
    return %arg0, %c0_i32 : i32, i32
  }
}

module attributes {stable_mosaic.version = 14 : i64} {
  func.func @_pre_bn_body(%arg0: memref<2x10240x32xf32, #tpu.memory_space<vmem>>, %arg1: memref<10240x1xf32, #tpu.memory_space<vmem>>, %arg2: memref<1x32xf32, #tpu.memory_space<vmem>>, %arg3: memref<10240x32xf32, #tpu.memory_space<vmem>>) attributes {dimension_semantics = [], scalar_prefetch = 0 : i64, scratch_operands = 0 : i64, tpu.core_type = #tpu.core_type<tc>} {
    %get3A = arith.constant 0 : index
    %get3A_0 = arith.constant 0 : index
    %get3A_1 = arith.constant 0 : index
    %get3A_2 = vector.load %arg0[%get3A, %get3A_0, %get3A_1] : memref<2x10240x32xf32, #tpu.memory_space<vmem>>, vector<1x10240x32xf32>
    %get3A_3 = vector.shape_cast %get3A_2 : vector<1x10240x32xf32> to vector<10240x32xf32>
    %get3A_4 = arith.constant 1 : index
    %get3A_5 = arith.constant 0 : index
    %get3A_6 = arith.constant 0 : index
    %get3A_7 = vector.load %arg0[%get3A_4, %get3A_5, %get3A_6] : memref<2x10240x32xf32, #tpu.memory_space<vmem>>, vector<1x10240x32xf32>
    %get3A_8 = vector.shape_cast %get3A_7 : vector<1x10240x32xf32> to vector<10240x32xf32>
    %add3A = arith.addf %get3A_3, %get3A_8 : vector<10240x32xf32>
    %get3A_9 = arith.constant 0 : index
    %get3A_10 = arith.constant 0 : index
    %get3A_11 = vector.load %arg1[%get3A_9, %get3A_10] : memref<10240x1xf32, #tpu.memory_space<vmem>>, vector<10240x1xf32>
    %mul3A = vector.broadcast %get3A_11 : vector<10240x1xf32> to vector<10240x32xf32>
    %mul3A_12 = arith.mulf %add3A, %mul3A : vector<10240x32xf32>
    %get3A_13 = arith.constant 0 : index
    %get3A_14 = arith.constant 0 : index
    %get3A_15 = vector.load %arg2[%get3A_13, %get3A_14] : memref<1x32xf32, #tpu.memory_space<vmem>>, vector<1x32xf32>
    %add3A_16 = vector.broadcast %get3A_15 : vector<1x32xf32> to vector<10240x32xf32>
    %add3A_17 = arith.addf %mul3A_12, %add3A_16 : vector<10240x32xf32>
    %max3A = arith.constant 0.000000e+00 : f32
    %max3A_18 = vector.broadcast %max3A : f32 to vector<10240x32xf32>
    %max3A_19 = arith.maximumf %add3A_17, %max3A_18 : vector<10240x32xf32>
    %swap3A = arith.constant 0 : index
    %swap3A_20 = arith.constant 0 : index
    %swap3A_21 = vector.load %arg3[%swap3A, %swap3A_20] : memref<10240x32xf32, #tpu.memory_space<vmem>>, vector<10240x32xf32>
    tpu.vector_store %arg3[%swap3A, %swap3A_20], %max3A_19 {strides = array<i32>} : memref<10240x32xf32, #tpu.memory_space<vmem>>, vector<10240x32xf32>,
    return
  }
}

module attributes {stable_mosaic.version = 14 : i64} {
  func.func @_bn_apply_body(%arg0: memref<10240x32xf32, #tpu.memory_space<vmem>>, %arg1: memref<1x32xf32, #tpu.memory_space<vmem>>, %arg2: memref<1x32xf32, #tpu.memory_space<vmem>>, %arg3: memref<1x32xf32, #tpu.memory_space<vmem>>, %arg4: memref<1x32xf32, #tpu.memory_space<vmem>>, %arg5: memref<10240x32xf32, #tpu.memory_space<vmem>>) attributes {dimension_semantics = [], scalar_prefetch = 0 : i64, scratch_operands = 0 : i64, tpu.core_type = #tpu.core_type<tc>} {
    %get3A = arith.constant 0 : index
    %get3A_0 = arith.constant 0 : index
    %get3A_1 = vector.load %arg0[%get3A, %get3A_0] : memref<10240x32xf32, #tpu.memory_space<vmem>>, vector<10000x32xf32>
    %get3A_2 = arith.constant 0 : index
    %get3A_3 = arith.constant 0 : index
    %get3A_4 = vector.load %arg3[%get3A_2, %get3A_3] : memref<1x32xf32, #tpu.memory_space<vmem>>, vector<1x32xf32>
    %get3A_5 = arith.constant 0 : index
    %get3A_6 = arith.constant 0 : index
    %get3A_7 = vector.load %arg1[%get3A_5, %get3A_6] : memref<1x32xf32, #tpu.memory_space<vmem>>, vector<1x32xf32>
    %sub3A = vector.broadcast %get3A_7 : vector<1x32xf32> to vector<10000x32xf32>
    %sub3A_8 = arith.subf %get3A_1, %sub3A : vector<10000x32xf32>
    %mul3A = vector.broadcast %get3A_4 : vector<1x32xf32> to vector<10000x32xf32>
    %mul3A_9 = arith.mulf %mul3A, %sub3A_8 : vector<10000x32xf32>
    %get3A_10 = arith.constant 0 : index
    %get3A_11 = arith.constant 0 : index
    %get3A_12 = vector.load %arg2[%get3A_10, %get3A_11] : memref<1x32xf32, #tpu.memory_space<vmem>>, vector<1x32xf32>
    %add3A = arith.constant 9.99999974E-6 : f32
    %add3A_13 = vector.broadcast %add3A : f32 to vector<1x32xf32>
    %add3A_14 = arith.addf %get3A_12, %add3A_13 : vector<1x32xf32>
    %sqrt3A = math.sqrt %add3A_14 : vector<1x32xf32>
    %div3A = vector.broadcast %sqrt3A : vector<1x32xf32> to vector<10000x32xf32>
    %div3A_15 = arith.divf %mul3A_9, %div3A : vector<10000x32xf32>
    %get3A_16 = arith.constant 0 : index
    %get3A_17 = arith.constant 0 : index
    %get3A_18 = vector.load %arg4[%get3A_16, %get3A_17] : memref<1x32xf32, #tpu.memory_space<vmem>>, vector<1x32xf32>
    %add3A_19 = vector.broadcast %get3A_18 : vector<1x32xf32> to vector<10000x32xf32>
    %add3A_20 = arith.addf %div3A_15, %add3A_19 : vector<10000x32xf32>
    %broadcast_in_dim3A = arith.constant 0.000000e+00 : f32
    %broadcast_in_dim3A_21 = vector.broadcast %broadcast_in_dim3A : f32 to vector<240x32xf32>
    %concatenate3A = tpu.concatenate %add3A_20, %broadcast_in_dim3A_21 in 0 : vector<10000x32xf32>, vector<240x32xf32> -> vector<10240x32xf32>
    %swap3A = arith.constant 0 : index
    %swap3A_22 = arith.constant 0 : index
    %swap3A_23 = vector.load %arg5[%swap3A, %swap3A_22] : memref<10240x32xf32, #tpu.memory_space<vmem>>, vector<10240x32xf32>
    tpu.vector_store %arg5[%swap3A, %swap3A_22], %concatenate3A {strides = array<i32>} : memref<10240x32xf32, #tpu.memory_space<vmem>>, vector<10240x32xf32>,
    return
  }
}

module attributes {stable_mosaic.version = 14 : i64} {
  func.func @_decoder_body(%arg0: i32, %arg1: memref<400x32xf32, #tpu.memory_space<vmem>>, %arg2: memref<10000x32xf32, #tpu.memory_space<vmem>>, %arg3: memref<400x10000xf32, #tpu.memory_space<vmem>>) attributes {dimension_semantics = [#tpu.dimension_semantics<arbitrary>], iteration_bounds = array<i64: 25>, scalar_prefetch = 0 : i64, scratch_operands = 0 : i64, tpu.core_type = #tpu.core_type<tc>, window_params = [{transform_indices = @transform_0, window_bounds = array<i64: 400, 32>}, {pipeline_mode = #tpu.pipeline_mode<synchronous>, transform_indices = @transform_1, window_bounds = array<i64: 10000, 32>}, {transform_indices = @transform_2, window_bounds = array<i64: 400, 10000>}]} {
    %get3A = arith.constant 0 : index
    %get3A_0 = arith.constant 0 : index
    %get3A_1 = vector.load %arg1[%get3A, %get3A_0] : memref<400x32xf32, #tpu.memory_space<vmem>>, vector<400x32xf32>
    %get3A_2 = arith.constant 0 : index
    %get3A_3 = arith.constant 0 : index
    %get3A_4 = vector.load %arg2[%get3A_2, %get3A_3] : memref<10000x32xf32, #tpu.memory_space<vmem>>, vector<10000x32xf32>
    %dot_general3A = arith.constant dense<0.000000e+00> : vector<400x10000xf32>
    %dot_general3A_5 = tpu.matmul %get3A_1, %get3A_4, %dot_general3A {dimension_numbers = #tpu.dot_dimension_numbers<[1], [1], [0], [0], [0, 0, 1, 0], [], []>, transpose_lhs_hint = false} : vector<400x32xf32>, vector<10000x32xf32>, vector<400x10000xf32> -> vector<400x10000xf32>
    %logistic3A = arith.negf %dot_general3A_5 : vector<400x10000xf32>
    %logistic3A_6 = math.exp %logistic3A : vector<400x10000xf32>
    %logistic3A_7 = arith.constant 1.000000e+00 : f32
    %logistic3A_8 = vector.broadcast %logistic3A_7 : f32 to vector<400x10000xf32>
    %logistic3A_9 = arith.addf %logistic3A_8, %logistic3A_6 : vector<400x10000xf32>
    %logistic3A_10 = arith.divf %logistic3A_8, %logistic3A_9 : vector<400x10000xf32>
    %swap3A = arith.constant 0 : index
    %swap3A_11 = arith.constant 0 : index
    %swap3A_12 = vector.load %arg3[%swap3A, %swap3A_11] : memref<400x10000xf32, #tpu.memory_space<vmem>>, vector<400x10000xf32>
    tpu.vector_store %arg3[%swap3A, %swap3A_11], %logistic3A_10 {strides = array<i32>} : memref<400x10000xf32, #tpu.memory_space<vmem>>, vector<400x10000xf32>,
    return
  }
  func.func @transform_0(%arg0: i32) -> (i32, i32) {
    %c0_i32 = arith.constant 0 : i32
    %c0_i32_0 = arith.constant 0 : i32
    return %arg0, %c0_i32 : i32, i32
  }
  func.func @transform_1(%arg0: i32) -> (i32, i32) {
    %c0_i32 = arith.constant 0 : i32
    %c0_i32_0 = arith.constant 0 : i32
    %c0_i32_1 = arith.constant 0 : i32
    return %c0_i32, %c0_i32_0 : i32, i32
  }
  func.func @transform_2(%arg0: i32) -> (i32, i32) {
    %c0_i32 = arith.constant 0 : i32
    %c0_i32_0 = arith.constant 0 : i32
    return %arg0, %c0_i32 : i32, i32
  }
}

</mosaic_0001>

<sc_bundles>
// kernel: gather_offload_async_start.1
scs
__scs_entry_jumppad:
0x0: {  	(pc) =	sbr.rel $0x88, $3  }
0x1: {  	(tag) =	ssettag $0x0;
	lr =	simm.s32 $0x1  }
0x2: {  	[smem:$0x3F95] =	sst lr;
	_ =	strace $0xD0000000  }
0x3: {  	_ = 	snop  }
0x4: {  	_ = 	snop  }
0x5: {  	_ = 	snop  }
0x6: {  	_ = 	snop  }
0x7: {  	_ = 	snop  }
__scs_overlays_trampoline_lowered:
0x8: {  	[smem:$0x3FA4] =	sst s0  }
0x9: {  	[smem:$0x3FA5] =	sst s1  }
0xa: {  	[smem:$0x3FA6] =	sst s2  }
0xb: {  	[smem:$0x3FA7] =	sst s3  }
0xc: {  	[smem:$0x3FA8] =	sst s4  }
0xd: {  	[smem:$0x3FA9] =	sst s5  }
0xe: {  	[smem:$0x3FAA] =	sst s6  }
0xf: {  	[smem:$0x3FAB] =	sst s7  }
0x10: {  	[smem:$0x3FAC] =	sst s8  }
0x11: {  	[smem:$0x3FAD] =	sst s9;
	s0 =	simm.s32 @!p0 $0x0  }
0x12: {  	s1 =	sld [smem:$0x3F93];
	s0 =	simm.s32 @p0 $0x1  }
0x13: {  	[smem:$0x3FAE] =	sst s0;
	s0 =	simm.s32 @!p1 $0x0  }
0x14: {  	s2 =	sld [smem:$0x3F92];
	s0 =	simm.s32 @p1 $0x1  }
0x15: {  	[smem:$0x3FAF] =	sst s0;
	s0 =	simm.s32 @!p2 $0x0  }
0x16: {  	s3 =	sld [smem:$0x3FDB];
	s0 =	simm.s32 @p2 $0x1  }
0x17: {  	s4 =	simm.s32 $0x1BF5;
	[smem:$0x3FB1] =	sst s0  }
0x18: {  	s0 =	sld [smem:$0x3F94];
	_ =	swait.ge [sflag:s4], $0x0  }
0x19: {  	s7 =	sld [smem:$0x3F95]  }
0x1a: {  	s8 =	sadd.s32 $0xFFFFE003, lr  }
0x1b: {  	s9 =	sadd.s32 $0xFFFFFEF7, lr;
	s5 =	simm.s32 $0xFFFFFFFF;
	p2 =	slt.u32 s8, $0xFFFFF086  }
0x1c: {  	p1 =	slt.u32 s9, $0xF7A;
	s5 =	simm.s32 @!p2 $0x0  }
0x1d: {  	s5 =	simm.s32 @p1 $0x1;
	p0 =	seq.s32 s7, s2  }
0x1e: {  	s7 =	smul.u32 @!p0 $0xF7A, s2;
	p2 =	seq.s32 @!p0 s5, $0x0  }
0x1f: {  	s9 =	smul.u32 $0xF7A, s1;
	s8 =	simm.s32 @!p0 $0x1BF5;
	p2 =	por !p2, p0  }
0x20: {  	[sflag:s8] =	ssyncset.s32 @!p0 $0xFFFFF086;
	s6 =	sadd.s32 @!p0 s3, s7;
	s7 =	simm.s32 @!p0 $0x108  }
0x21: {  	s3 =	sadd.s32 s3, s9;
	s6 =	sadd.s32 @!p0 $0x88, s6;
	s7 =	simm.s32 @p2 $0x1082  }
0x22: {  	[simem:s7], [sflag:s8] =	dma.local @!p0 [hbm:s6], $0xF7A  }
0x23: {  	s9 =	sor.u32 $0xD0000000, s2;
	s6 =	simm.s32 $0x108;
	_ =	swait.ge @!p0 [sflag:s8], $0x0  }
0x24: {  	s3 =	sadd.s32 $0x88, s3;
	s6 =	simm.s32 @!p1 $0x1082;
	[sflag:s4] =	ssyncset.s32 $0xFFFFF086  }
0x25: {  	[simem:s6], [sflag:s4] =	dma.local [hbm:s3], $0xF7A  }
0x26: {  	[smem:$0x3F95] =	sst s1;
	(tag) =	ssettag s2;
	_ =	strace s9  }
0x27: {  	s1 =	sld [smem:$0x3FA5]  }
0x28: {  	s2 =	sld [smem:$0x3FA6]  }
0x29: {  	s4 =	sld [smem:$0x3FA8]  }
0x2a: {  	p0 =	seq.s32 s5, $0x0;
	s5 =	sld [smem:$0x3FA9]  }
0x2b: {  	s6 =	sld [smem:$0x3FAA]  }
0x2c: {  	s7 =	sld [smem:$0x3FAB]  }
0x2d: {  	s3 =	simm.s32 $0x108;
	s8 =	sld [smem:$0x3FAC]  }
0x2e: {  	s3 =	simm.s32 @!p0 $0x1082;
	s9 =	sld [smem:$0x3FAD]  }
0x2f: {  	lr =	sadd.s32 s0, s3;
	s0 =	sld [smem:$0x3FA4]  }
0x30: {  	s3 =	sld [smem:$0x3FA7]  }
0x31: {  	[smem:$0x3FB0] =	sst s10  }
0x32: {  	s10 =	sld [smem:$0x3FAE];
	_ =	sdelay $0x3  }
0x33: {  	p0 =	seq.s32 s10, $0x1;
	s10 =	sld [smem:$0x3FB0];
	_ =	sdelay $0x3  }
0x34: {  	[smem:$0x3FB0] =	sst s10  }
0x35: {  	s10 =	sld [smem:$0x3FAF];
	_ =	sdelay $0x3  }
0x36: {  	p1 =	seq.s32 s10, $0x1;
	s10 =	sld [smem:$0x3FB0];
	_ =	sdelay $0x3  }
0x37: {  	[smem:$0x3FB0] =	sst s10  }
0x38: {  	s10 =	sld [smem:$0x3FB1]  }
0x39: {  	_ = 	snop;
	(pc) =	sbr.ind lr, $3  }
0x3a: {  	_ = 	snop  }
0x3b: {  	_ = 	snop  }
0x3c: {  	p2 =	seq.s32 s10, $0x1;
	s10 =	sld [smem:$0x3FB0]  }
0x3d: {  	_ =	shalt  }
0x3e: {  	_ =	shalt  }
0x3f: {  	_ =	shalt  }
0x40: {  	_ =	shalt  }
0x41: {  	_ =	shalt  }
0x42: {  	_ =	shalt  }
0x43: {  	_ =	shalt  }
0x44: {  	_ =	shalt  }
0x45: {  	_ =	shalt  }
0x46: {  	_ =	shalt  }
0x47: {  	_ =	shalt  }
0x48: {  	_ =	shalt  }
0x49: {  	_ =	shalt  }
0x4a: {  	_ =	shalt  }
0x4b: {  	_ =	shalt  }
0x4c: {  	_ =	shalt  }
0x4d: {  	_ =	shalt  }
0x4e: {  	_ =	shalt  }
0x4f: {  	_ =	shalt  }
0x50: {  	_ =	shalt  }
0x51: {  	_ =	shalt  }
0x52: {  	_ =	shalt  }
0x53: {  	_ =	shalt  }
0x54: {  	_ =	shalt  }
0x55: {  	_ =	shalt  }
0x56: {  	_ =	shalt  }
0x57: {  	_ =	shalt  }
0x58: {  	_ =	shalt  }
0x59: {  	_ =	shalt  }
0x5a: {  	_ =	shalt  }
0x5b: {  	_ =	shalt  }
0x5c: {  	_ =	shalt  }
0x5d: {  	_ =	shalt  }
0x5e: {  	_ =	shalt  }
0x5f: {  	_ =	shalt  }
0x60: {  	_ =	shalt  }
0x61: {  	_ =	shalt  }
0x62: {  	_ =	shalt  }
0x63: {  	_ =	shalt  }
0x64: {  	_ =	shalt  }
0x65: {  	_ =	shalt  }
0x66: {  	_ =	shalt  }
0x67: {  	_ =	shalt  }
0x68: {  	_ =	shalt  }
0x69: {  	_ =	shalt  }
0x6a: {  	_ =	shalt  }
0x6b: {  	_ =	shalt  }
0x6c: {  	_ =	shalt  }
0x6d: {  	_ =	shalt  }
0x6e: {  	_ =	shalt  }
0x6f: {  	_ =	shalt  }
0x70: {  	_ =	shalt  }
0x71: {  	_ =	shalt  }
0x72: {  	_ =	shalt  }
0x73: {  	_ =	shalt  }
0x74: {  	_ =	shalt  }
0x75: {  	_ =	shalt  }
0x76: {  	_ =	shalt  }
0x77: {  	_ =	shalt  }
0x78: {  	_ =	shalt  }
0x79: {  	_ =	shalt  }
0x7a: {  	_ =	shalt  }
0x7b: {  	_ =	shalt  }
0x7c: {  	_ =	shalt  }
0x7d: {  	_ =	shalt  }
0x7e: {  	_ =	shalt  }
0x7f: {  	_ =	shalt  }
0x80: {  	_ =	shalt  }
0x81: {  	_ =	shalt  }
0x82: {  	_ =	shalt  }
0x83: {  	_ =	shalt  }
0x84: {  	_ =	shalt  }
0x85: {  	_ =	shalt  }
0x86: {  	_ =	shalt  }
0x87: {  	_ =	shalt  }
.Lfunc_end0:
.L_simem_size_0:
called_computation.1_lowered:
.L_overlay_start_0:
0x88: {  	s2 =	sld [smem:$0x3FD9]  }
0x89: {  	s3 =	sld [smem:$0x3FFE];
	_ =	sdelay $0x1  }
0x8a: {  	s1 =	srdreg.scid  }
0x8b: {  	s0 =	sand.u32 $0x1, s1  }
0x8c: {  	s14 =	sshll.u32 s0, $0xA;
	s2 =	sadd.s32 s3, s2  }
0x8d: {  	s2 =	sadd.s32 s2, s14  }
0x8e: {  	[smem:$0x3FBC] =	sst s2  }
0x8f: {  	_ = 	snop  }
0x90: {  	s2 =	sld [smem:$0x3FD0];
	_ =	sdelay $0x2  }
0x91: {  	s15 =	simm.s32 $0xA;
	s4 =	simm.s32 $0x10  }
0x92: {  	[smem:s4], [sflag:s15] =	dma.local [hbm:s2], $0x1  }
0x93: {  	_ =	swait.eq [sflag:s15], $0x1  }
0x94: {  	[sflag:s15] =	ssyncset.done $0x0  }
0x95: {  	[sflag:s15] =	ssyncadd.s32 $0xFFFFFFFF  }
0x96: {  	s16 =	sld [smem:$0x10];
	(tm) =	ssettm $0x1  }
0x97: {  	s17 =	sld [smem:$0x3FFB];
	_ =	sdelay $0x3  }
0x98: {  	_ =	strace s17  }
0x99: {  	s3 =	sld [smem:$0x3FFC];
	_ =	sdelay $0x3  }
0x9a: {  	_ =	strace s3  }
0x9b: {  	s3 =	sld [smem:$0x3FFD];
	_ =	sdelay $0x3  }
0x9c: {  	_ =	strace s3  }
0x9d: {  	_ =	strace $0x8FFFFFFF  }
0x9e: {  	s18 =	sld [smem:$0x3FDB];
	_ =	sdelay $0x1  }
0x9f: {  	s19 =	simm.s32 $_scs_section_size  }
0xa0: {  	s5 =	simm.s32 $_size__tile_overlayer_lowered;
	s6 =	simm.s32 $_tile_overlayer_lowered  }
0xa1: {  	s22 =	simm.s32 $0x1BFF;
	s21 =	sshll.u32 s6, $0x1;
	s3 =	sadd.s32 s19, s18  }
0xa2: {  	s7 =	simm.s32 $0x0;
	s20 =	sshll.u32 s5, $0x1;
	s5 =	sadd.s32 s21, s3  }
0xa3: {  	[timem:s7], [sflag:s22] =	dma.local [hbm:s5], s20  }
0xa4: {  	_ =	swait.ge [sflag:s22], s20  }
0xa5: {  	s4 =	ssub.s32 $0x0, s20;
	[sflag:s22] =	ssyncset.done $0x0  }
0xa6: {  	[sflag:s22] =	ssyncadd.s32 s4;
	_ =	sdelay $0x1  }
0xa7: {  	s23 =	simm.s32 $0x1B8B  }
0xa8: {  	_ =	swait.ge [sflag:s23], $0x1  }
0xa9: {  	[sflag:s23] =	ssyncset.done $0x0  }
0xaa: {  	s25 =	simm.s32 $0x1B8E;
	s24 =	sld [smem:$0x3FFE];
	[sflag:s23] =	ssyncadd.s32 $0xFFFFFFFF  }
0xab: {  	s26 =	simm.s32 $execute0_lowered;
	[smem:$0x3FD2] =	sst s25  }
0xac: {  	s5 =	sshll.u32 s26, $0x1;
	_ =	strace $0x80000046;
	[dreg:$0x1] =	wrdreg $0xFFFFFFFF  }
0xad: {  	s28 =	simm.s32 $_size_execute0_lowered;
	s3 =	sadd.s32 s3, s5;
	[dreg:$0x0] =	wrdreg $0x0  }
0xae: {  	s5 =	sshll.u32 s28, $0x1;
	[dreg:$0x2] =	wrdreg s3  }
0xaf: {  	[dreg:$0x3] =	wrdreg s5  }
0xb0: {  	[dreg:$0x4] =	wrdreg $0xC0  }
0xb1: {  	_ =	task [dreg:s7], $0x5FFFF  }
0xb2: {  	[dreg:$0x1] =	wrdreg $0xFFFFFFFF  }
0xb3: {  	[dreg:$0x0] =	wrdreg $0x60  }
0xb4: {  	[dreg:$0x2] =	wrdreg s16  }
0xb5: {  	[dreg:$0x3] =	wrdreg s24  }
0xb6: {  	[dreg:$0x4] =	wrdreg $0x9  }
0xb7: {  	_ =	task.clear_ibuf [dreg:s7], $0x5FFFF;
	_ =	strace $0x90000046  }
0xb8: {  	s29 =	simm.s32 $0x9;
	_ =	strace $0x80000048  }
0xb9: {  	_ =	swait.ge [sflag:s29], $0x1  }
0xba: {  	[sflag:s29] =	ssyncadd.s32 $0xFFFFFFFF  }
0xbb: {  	_ =	strace $0x90000048  }
0xbc: {  	_ =	sfence  }
0xbd: {  	s30 =	sld [smem:$0x0];
	_ =	sdelay $0x2  }
0xbe: {  	s31 =	sshll.u32 s1, $0xD;
	s1 =	sshrl.u32 s1, $0x2  }
0xbf: {  	s3 =	sand.u32 $0x4000, s31;
	s1 =	sadd.s32 s1, s30  }
0xc0: {  	s0 =	sor.u32 s3, s0;
	s1 =	sshll.u32 s1, $0x11  }
0xc1: {  	s0 =	sor.u32 s1, s0  }
0xc2: {  	s0 =	sadd.s32 $0x8F2B, s0  }
0xc3: {  	[sflag:s0] =	ssyncadd.remote.s32 $0x1  }
0xc4: {  	_ =	sfence.sel $0xFFFF  }
0xc5: {  	[dreg:$0x0] =	wrdreg $0xFFFFFFFF;
	(pc) =	sbr.abs _section_cstart, $3  }
0xc6: {  	[dreg:$0x1] =	wrdreg $0xFFFFFFFF  }
0xc7: {  	_ =	task.clear_ibuf [dreg:s7], $0x2FFFF;
	_ =	strace $0x9FFFFFFF  }
0xc8: {  	(tm) =	ssettm $0x7FFFFFFF  }
0xc9: {  	_ =	shalt  }
tec
execute0_lowered:
.L_overlay_start_1:
0x0: {  	(tag) =	ssettag $0x1  }
0x1: {  	s2 =	rddreg [dreg:$0x0]  }
0x2: {  	s8 =	rddreg [dreg:$0x1]  }
0x3: {  	s0 =	rddreg [dreg:$0x2];
	s1 =	stileid.u32  }
0x4: {  	s3 =	srdreg.scid;
	_ =	strace $0x80000047;
	s4 =	simm.s32 $0x1  }
0x5: {  	s7 =	simm.s32 $0x1;
	s9 =	simm.s32 $0x1;
	s10 =	simm.s32 $0x3  }
0x6: {  	s13 =	simm.s32 $0x0;
	s5 =	sand.u32 $0x1, s3;
	s6 =	sshll.u32 s1, $0x1  }
0x7: {  	s12 =	simm.s32 $0x0;
	s3 =	sadd.s32 $0x6E00, s8;
	s5 =	sor.u32 s6, s5  }
.Ltmp0:
0x8: {  	[sflag:s4] =	ssyncpa.u1 $0x0;
	p0 =	slt.u32 s5, $0x9;
	(pc) =	sbr.rel .LBB2_1-.Ltmp0, $4  }
0x9: {  	s6 =	simm.s32 $0x2;
	s7 =	simm.s32 @!p0 $0x0;
	p0 =	sne.s32 s5, $0x8  }
0xa: {  	[sflag:s6] =	ssyncpa.u1 $0x0;
	s5 =	smul.u32 $0xFA0, s5;
	s9 =	simm.s32 @!p0 $0x0  }
0xb: {  	s8 =	sadd.s32 $0xBE00, s8;
	[sflag:s10] =	ssyncpa.u1 $0x0;
	s7 =	sadd.s32 s9, s7  }
0xc: {  	vm0 =	vmmov $0xffff;
	s10 =	simm.s32 $0x0;
	s11 =	smov.u32 s5;
	s9 =	sadd.s32 $0x1, s7  }
.LBB2_4:
0xd: {  	v2 =	vnsel vm1, $0x0, v2  }
0xe: {  	vm1 =	vgt.s32 v0, $0x0;
	v2 =	vmin.u32 v2, $0x270FF  }
0xf: {  	v0 =	vnsel vm1, $0x0, v0  }
0x10: {  	v0 =	vmin.u32 v0, $0x270FF  }
0x11: {  	[tilespmem:s18], [sflag:$0x1] =	stream.indirect_vreg.gather [hbm4b:s2+s10], $0x1, v1, vm0, $0x4038;
	[tilespmem:$0x3E80] =	vst v63  }
0x12: {  	(ifvalue) =	ssetifvalue $0x7FFFFFFF  }
0x13: {  	[tilespmem:s15], [sflag:$0x1] =	stream.indirect_vreg.gather [hbm4b:s2+s10], $0x1, v2, vm0, $0x4038;
	[tilespmem:$0x3E80] =	vst v63  }
0x14: {  	s29 =	sadd.s32 $0x10, s15;
	(ifvalue) =	ssetifvalue $0x7FFFFFFF  }
0x15: {  	[tilespmem:s29], [sflag:$0x1] =	stream.indirect_vreg.gather [hbm4b:s2+s10], $0x1, v0, vm0, $0x4038;
	[tilespmem:$0x3E80] =	vst v63  }
0x16: {  	_ =	swait.ge [sflag:s4], $0xFA0  }
0x17: {  	s30 =	sshrl.u32 s13, $0x3;
	[sflag:s4] =	ssyncset.done $0x0  }
0x18: {  	s31 =	sand.u32 $0x7, s13;
	s15 =	sadd.s32 s8, s30;
	[sflag:s4] =	ssyncadd.s32 $0xFFFFF060  }
0x19: {  	[hbm4b:s15+s31] =	stream.linear.scatter [tilespmem:s14], [sflag:$0x3], $0xFA0, $0x38;
	[tilespmem:$0x3E80] =	vst v63  }
.LBB2_5:
0x1a: {  	s15 =	sadd.s32 $0x1F400, s11  }
0x1b: {  	p1 =	sgt.s32 s15, $0x270FF  }
0x1c: {  	s15 =	smov.u32 @p1 s5;
	p1 =	sne.s32 s12, s9  }
.Ltmp1:
0x1d: {  	p0 =	slt.u32 s12, $0x2;
	(pc) =	sbr.rel @!p1 .LBB2_6-.Ltmp1, $4  }
0x1e: {  	s14 =	simm.s32 @!p0 $0x3  }
0x1f: {  	_ =	swait.ge @!p0 [sflag:s14], $0xFA0  }
0x20: {  	s16 =	sadd.s32 $0x1, s12;
	s13 =	smov.u32 s11;
	[sflag:s14] =	ssyncset.done @!p0 $0x0  }
0x21: {  	s12 =	smov.u32 s16;
	s11 =	smov.u32 s15;
	[sflag:s14] =	ssyncadd.s32 @!p0 $0xFFFFF060  }
.LBB2_1:
0x22: {  	p0 =	sge.u32 s12, s7  }
0x23: {  	s14 =	sxor.u32 @!p0 $0x1, s12  }
0x24: {  	s14 =	smul.u32 @!p0 $0x3E80, s14  }
0x25: {  	s31 =	sadd.s32 $0xFFFFFFFF, s12;
	s15 =	sshrl.u32 @!p0 s11, $0x3  }
0x26: {  	s16 =	sand.u32 @!p0 $0x7, s11;
	s15 =	sadd.s32 @!p0 s3, s15;
	s14 =	sshra.s32 @!p0 s14, $0x2  }
0x27: {  	[tilespmem:s14], [sflag:$0x2] =	stream.linear.gather @!p0 [hbm4b:s15+s16], $0xFA0, $0x38;
	[tilespmem:$0x3E80] =	vst v63  }
0x28: {  	p0 =	sge.u32 s31, s7  }
.Ltmp2:
0x29: {  	_ = 	snop;
	(pc) =	sbr.rel @p0 .LBB2_5-.Ltmp2, $1  }
0x2a: {  	_ =	sdelay $0x3  }
0x2b: {  	s14 =	sand.u32 $0x1, s12  }
0x2c: {  	_ =	swait.ge [sflag:s6], $0xFA0;
	p0 =	seq.s32 s14, $0x1;
	s14 =	simm.s32 $0xFA0  }
0x2d: {  	[sflag:s6] =	ssyncset.done $0x0;
	s14 =	simm.s32 @!p0 $0x0  }
0x2e: {  	[sflag:s6] =	ssyncadd.s32 $0xFFFFF060;
	(ifvalue) =	ssetifvalue $0x7FFFFFFF;
	v0 =	vld.msk [tilespmem:s14+$0x0 ss:$0x1], $0xffff;
	_ =	sdelay $0x4  }
0x2f: {  	s15 =	sadd.s32 $0x10, s14;
	vm1 =	vgt.s32 v0, $0x0  }
0x30: {  	v2 =	vld.msk [tilespmem:s15+$0x0 ss:$0x1], $0xffff;
	v1 =	vnsel vm1, $0x0, v0  }
0x31: {  	v1 =	vmin.u32 v1, $0x270FF;
	_ =	sdelay $0x2  }
0x32: {  	s17 =	simm.s32 $0x20;
	s14 =	sadd.s32 $0x1F40, s14;
	s16 =	sadd.s32 $0x10, s15  }
0x33: {  	s15 =	sadd.s32 $0x10, s14;
	s18 =	smov.u32 s14;
	v0 =	vld.msk [tilespmem:s16+$0x0 ss:$0x1], $0xffff;
	vm1 =	vgt.s32 v2, $0x0;
	(ifvalue) =	ssetifvalue $0x7FFFFFFF  }
.LBB2_3:
0x34: {  	[tilespmem:s18], [sflag:$0x1] =	stream.indirect_vreg.gather [hbm4b:s2+s10], $0x1, v1, vm0, $0x4038;
	[tilespmem:$0x3E80] =	vst v63  }
0x35: {  	s17 =	sadd.s32 $0x10, s17  }
0x36: {  	v2 =	vnsel vm1, $0x0, v2;
	p0 =	slt.u32 s17, $0xF90  }
.Ltmp3:
0x37: {  	s18 =	smov.u32 s15;
	v1 =	vmin.u32 v2, $0x270FF;
	(pc) =	sbr.rel @p0 .LBB2_3-.Ltmp3, $3  }
0x38: {  	_ =	sdelay $0x1  }
0x39: {  	s16 =	sadd.s32 $0x10, s16  }
0x3a: {  	vm1 =	vgt.s32 v0, $0x0;
	s15 =	sadd.s32 $0x10, s15;
	v2 =	vmov v0;
	(ifvalue) =	ssetifvalue $0x7FFFFFFF;
	v0 =	vld.msk [tilespmem:s16+$0x0 ss:$0x1], $0xffff  }
.Ltmp4:
0x3b: {  	_ = 	snop;
	(pc) =	sbr.rel .LBB2_4-.Ltmp4, $1  }
0x3c: {  	_ =	sdelay $0x3  }
.LBB2_6:
0x3d: {  	_ =	sfence.sel $0x180000  }
0x3e: {  	s2 =	simm.s32 $0x2;
	[bflag:$0x0] =	sbarrier.arrive $0xFFFF  }
0x3f: {  	s30 =	simm.s32 $0x3;
	[sflag:s2] =	ssyncpa.u1 $0x1  }
0x40: {  	s31 =	simm.s32 $0x1;
	[sflag:s30] =	ssyncpa.u1 $0x1  }
0x41: {  	[sflag:s31] =	ssyncpa.u1 $0x1  }
0x42: {  	p0 =	sne.s32 s1, $0x0;
	_ =	strace $0x90000047  }
0x43: {  	s0 =	sadd.s32 @!p0 $0x100000, s0;
	[bflag:$0x2] =	sbarrier.arrive $0xFFFF  }
0x44: {  	[sflag:s0] =	ssyncadd.tile.s32 @!p0 $0x1;
	_ =	shalt  }
.Lfunc_end2:
_tile_overlayer_lowered:
.L_overlay_start_2:
0x45: {  	(tag) =	ssettag $0x2  }
0x46: {  	s0 =	rddreg [dreg:$0x0];
	s2 =	stileid.u32  }
0x47: {  	s1 =	rddreg [dreg:$0x1];
	p0 =	sne.s32 s2, $0x0  }
0x48: {  	s3 =	rddreg [dreg:$0x2];
	[bflag:$0x3] =	sbarrier.arrive $0xFFFF;
	s2 =	simm.s32 @!p0 $0x1C01  }
0x49: {  	[timem:s3], [sflag:s2] =	dma.local @!p0 [hbm:s0], s1  }
0x4a: {  	s0 =	simm.s32 @!p0 $0x1  }
0x4b: {  	_ =	swait.ge @!p0 [sflag:s0], s1  }
0x4c: {  	s1 =	ssub.s32 @!p0 $0x0, s1;
	[sflag:s0] =	ssyncset.done @!p0 $0x0  }
0x4d: {  	[sflag:s0] =	ssyncadd.s32 @!p0 s1  }
0x4e: {  	[bflag:$0x3] =	sbarrier.arrive $0xFFFF  }
0x4f: {  	_ =	shalt  }

// kernel: gather_offload_async_start.2
scs
__scs_entry_jumppad:
0x0: {  	(pc) =	sbr.rel $0x88, $3  }
0x1: {  	(tag) =	ssettag $0x0;
	lr =	simm.s32 $0x1  }
0x2: {  	[smem:$0x3F95] =	sst lr;
	_ =	strace $0xD0000000  }
0x3: {  	_ = 	snop  }
0x4: {  	_ = 	snop  }
0x5: {  	_ = 	snop  }
0x6: {  	_ = 	snop  }
0x7: {  	_ = 	snop  }
__scs_overlays_trampoline_lowered:
0x8: {  	[smem:$0x3FA4] =	sst s0  }
0x9: {  	[smem:$0x3FA5] =	sst s1  }
0xa: {  	[smem:$0x3FA6] =	sst s2  }
0xb: {  	[smem:$0x3FA7] =	sst s3  }
0xc: {  	[smem:$0x3FA8] =	sst s4  }
0xd: {  	[smem:$0x3FA9] =	sst s5  }
0xe: {  	[smem:$0x3FAA] =	sst s6  }
0xf: {  	[smem:$0x3FAB] =	sst s7  }
0x10: {  	[smem:$0x3FAC] =	sst s8  }
0x11: {  	[smem:$0x3FAD] =	sst s9;
	s0 =	simm.s32 @!p0 $0x0  }
0x12: {  	s1 =	sld [smem:$0x3F93];
	s0 =	simm.s32 @p0 $0x1  }
0x13: {  	[smem:$0x3FAE] =	sst s0;
	s0 =	simm.s32 @!p1 $0x0  }
0x14: {  	s2 =	sld [smem:$0x3F92];
	s0 =	simm.s32 @p1 $0x1  }
0x15: {  	[smem:$0x3FAF] =	sst s0;
	s0 =	simm.s32 @!p2 $0x0  }
0x16: {  	s3 =	sld [smem:$0x3FDB];
	s0 =	simm.s32 @p2 $0x1  }
0x17: {  	s4 =	simm.s32 $0x1BF5;
	[smem:$0x3FB1] =	sst s0  }
0x18: {  	s0 =	sld [smem:$0x3F94];
	_ =	swait.ge [sflag:s4], $0x0  }
0x19: {  	s7 =	sld [smem:$0x3F95]  }
0x1a: {  	s8 =	sadd.s32 $0xFFFFE003, lr  }
0x1b: {  	s9 =	sadd.s32 $0xFFFFFEF7, lr;
	s5 =	simm.s32 $0xFFFFFFFF;
	p2 =	slt.u32 s8, $0xFFFFF086  }
0x1c: {  	p1 =	slt.u32 s9, $0xF7A;
	s5 =	simm.s32 @!p2 $0x0  }
0x1d: {  	s5 =	simm.s32 @p1 $0x1;
	p0 =	seq.s32 s7, s2  }
0x1e: {  	s7 =	smul.u32 @!p0 $0xF7A, s2;
	p2 =	seq.s32 @!p0 s5, $0x0  }
0x1f: {  	s9 =	smul.u32 $0xF7A, s1;
	s8 =	simm.s32 @!p0 $0x1BF5;
	p2 =	por !p2, p0  }
0x20: {  	[sflag:s8] =	ssyncset.s32 @!p0 $0xFFFFF086;
	s6 =	sadd.s32 @!p0 s3, s7;
	s7 =	simm.s32 @!p0 $0x108  }
0x21: {  	s3 =	sadd.s32 s3, s9;
	s6 =	sadd.s32 @!p0 $0x88, s6;
	s7 =	simm.s32 @p2 $0x1082  }
0x22: {  	[simem:s7], [sflag:s8] =	dma.local @!p0 [hbm:s6], $0xF7A  }
0x23: {  	s9 =	sor.u32 $0xD0000000, s2;
	s6 =	simm.s32 $0x108;
	_ =	swait.ge @!p0 [sflag:s8], $0x0  }
0x24: {  	s3 =	sadd.s32 $0x88, s3;
	s6 =	simm.s32 @!p1 $0x1082;
	[sflag:s4] =	ssyncset.s32 $0xFFFFF086  }
0x25: {  	[simem:s6], [sflag:s4] =	dma.local [hbm:s3], $0xF7A  }
0x26: {  	[smem:$0x3F95] =	sst s1;
	(tag) =	ssettag s2;
	_ =	strace s9  }
0x27: {  	s1 =	sld [smem:$0x3FA5]  }
0x28: {  	s2 =	sld [smem:$0x3FA6]  }
0x29: {  	s4 =	sld [smem:$0x3FA8]  }
0x2a: {  	p0 =	seq.s32 s5, $0x0;
	s5 =	sld [smem:$0x3FA9]  }
0x2b: {  	s6 =	sld [smem:$0x3FAA]  }
0x2c: {  	s7 =	sld [smem:$0x3FAB]  }
0x2d: {  	s3 =	simm.s32 $0x108;
	s8 =	sld [smem:$0x3FAC]  }
0x2e: {  	s3 =	simm.s32 @!p0 $0x1082;
	s9 =	sld [smem:$0x3FAD]  }
0x2f: {  	lr =	sadd.s32 s0, s3;
	s0 =	sld [smem:$0x3FA4]  }
0x30: {  	s3 =	sld [smem:$0x3FA7]  }
0x31: {  	[smem:$0x3FB0] =	sst s10  }
0x32: {  	s10 =	sld [smem:$0x3FAE];
	_ =	sdelay $0x3  }
0x33: {  	p0 =	seq.s32 s10, $0x1;
	s10 =	sld [smem:$0x3FB0];
	_ =	sdelay $0x3  }
0x34: {  	[smem:$0x3FB0] =	sst s10  }
0x35: {  	s10 =	sld [smem:$0x3FAF];
	_ =	sdelay $0x3  }
0x36: {  	p1 =	seq.s32 s10, $0x1;
	s10 =	sld [smem:$0x3FB0];
	_ =	sdelay $0x3  }
0x37: {  	[smem:$0x3FB0] =	sst s10  }
0x38: {  	s10 =	sld [smem:$0x3FB1]  }
0x39: {  	_ = 	snop;
	(pc) =	sbr.ind lr, $3  }
0x3a: {  	_ = 	snop  }
0x3b: {  	_ = 	snop  }
0x3c: {  	p2 =	seq.s32 s10, $0x1;
	s10 =	sld [smem:$0x3FB0]  }
0x3d: {  	_ =	shalt  }
0x3e: {  	_ =	shalt  }
0x3f: {  	_ =	shalt  }
0x40: {  	_ =	shalt  }
0x41: {  	_ =	shalt  }
0x42: {  	_ =	shalt  }
0x43: {  	_ =	shalt  }
0x44: {  	_ =	shalt  }
0x45: {  	_ =	shalt  }
0x46: {  	_ =	shalt  }
0x47: {  	_ =	shalt  }
0x48: {  	_ =	shalt  }
0x49: {  	_ =	shalt  }
0x4a: {  	_ =	shalt  }
0x4b: {  	_ =	shalt  }
0x4c: {  	_ =	shalt  }
0x4d: {  	_ =	shalt  }
0x4e: {  	_ =	shalt  }
0x4f: {  	_ =	shalt  }
0x50: {  	_ =	shalt  }
0x51: {  	_ =	shalt  }
0x52: {  	_ =	shalt  }
0x53: {  	_ =	shalt  }
0x54: {  	_ =	shalt  }
0x55: {  	_ =	shalt  }
0x56: {  	_ =	shalt  }
0x57: {  	_ =	shalt  }
0x58: {  	_ =	shalt  }
0x59: {  	_ =	shalt  }
0x5a: {  	_ =	shalt  }
0x5b: {  	_ =	shalt  }
0x5c: {  	_ =	shalt  }
0x5d: {  	_ =	shalt  }
0x5e: {  	_ =	shalt  }
0x5f: {  	_ =	shalt  }
0x60: {  	_ =	shalt  }
0x61: {  	_ =	shalt  }
0x62: {  	_ =	shalt  }
0x63: {  	_ =	shalt  }
0x64: {  	_ =	shalt  }
0x65: {  	_ =	shalt  }
0x66: {  	_ =	shalt  }
0x67: {  	_ =	shalt  }
0x68: {  	_ =	shalt  }
0x69: {  	_ =	shalt  }
0x6a: {  	_ =	shalt  }
0x6b: {  	_ =	shalt  }
0x6c: {  	_ =	shalt  }
0x6d: {  	_ =	shalt  }
0x6e: {  	_ =	shalt  }
0x6f: {  	_ =	shalt  }
0x70: {  	_ =	shalt  }
0x71: {  	_ =	shalt  }
0x72: {  	_ =	shalt  }
0x73: {  	_ =	shalt  }
0x74: {  	_ =	shalt  }
0x75: {  	_ =	shalt  }
0x76: {  	_ =	shalt  }
0x77: {  	_ =	shalt  }
0x78: {  	_ =	shalt  }
0x79: {  	_ =	shalt  }
0x7a: {  	_ =	shalt  }
0x7b: {  	_ =	shalt  }
0x7c: {  	_ =	shalt  }
0x7d: {  	_ =	shalt  }
0x7e: {  	_ =	shalt  }
0x7f: {  	_ =	shalt  }
0x80: {  	_ =	shalt  }
0x81: {  	_ =	shalt  }
0x82: {  	_ =	shalt  }
0x83: {  	_ =	shalt  }
0x84: {  	_ =	shalt  }
0x85: {  	_ =	shalt  }
0x86: {  	_ =	shalt  }
0x87: {  	_ =	shalt  }
.Lfunc_end0:
.L_simem_size_0:
called_computation.2_lowered:
.L_overlay_start_0:
0x88: {  	s2 =	sld [smem:$0x3FD9]  }
0x89: {  	s3 =	sld [smem:$0x3FFE];
	_ =	sdelay $0x1  }
0x8a: {  	s1 =	srdreg.scid  }
0x8b: {  	s0 =	sand.u32 $0x1, s1  }
0x8c: {  	s16 =	sshll.u32 s0, $0xA;
	s2 =	sadd.s32 s3, s2  }
0x8d: {  	s2 =	sadd.s32 s2, s16  }
0x8e: {  	[smem:$0x3FBC] =	sst s2  }
0x8f: {  	_ = 	snop  }
0x90: {  	(tm) =	ssettm $0x1  }
0x91: {  	s17 =	sld [smem:$0x3FFB];
	_ =	sdelay $0x3  }
0x92: {  	_ =	strace s17  }
0x93: {  	s2 =	sld [smem:$0x3FFC];
	_ =	sdelay $0x3  }
0x94: {  	_ =	strace s2  }
0x95: {  	s2 =	sld [smem:$0x3FFD];
	_ =	sdelay $0x3  }
0x96: {  	_ =	strace s2  }
0x97: {  	_ =	strace $0x8FFFFFFF  }
0x98: {  	s18 =	sld [smem:$0x3FDB];
	_ =	sdelay $0x1  }
0x99: {  	s19 =	simm.s32 $_scs_section_size  }
0x9a: {  	s4 =	simm.s32 $_size__tile_overlayer_lowered;
	s5 =	simm.s32 $_tile_overlayer_lowered  }
0x9b: {  	s22 =	simm.s32 $0x1BFF;
	s21 =	sshll.u32 s5, $0x1;
	s2 =	sadd.s32 s19, s18  }
0x9c: {  	s6 =	simm.s32 $0x0;
	s20 =	sshll.u32 s4, $0x1;
	s4 =	sadd.s32 s21, s2  }
0x9d: {  	[timem:s6], [sflag:s22] =	dma.local [hbm:s4], s20  }
0x9e: {  	_ =	swait.ge [sflag:s22], s20  }
0x9f: {  	s3 =	ssub.s32 $0x0, s20;
	[sflag:s22] =	ssyncset.done $0x0  }
0xa0: {  	[sflag:s22] =	ssyncadd.s32 s3;
	_ =	sdelay $0x1  }
0xa1: {  	s23 =	simm.s32 $0x1B8B  }
0xa2: {  	_ =	swait.ge [sflag:s23], $0x1  }
0xa3: {  	[sflag:s23] =	ssyncset.done $0x0  }
0xa4: {  	s25 =	simm.s32 $0x1B8E;
	s24 =	sld [smem:$0x3FFE];
	[sflag:s23] =	ssyncadd.s32 $0xFFFFFFFF  }
0xa5: {  	s26 =	simm.s32 $execute0_lowered;
	[smem:$0x3FD2] =	sst s25  }
0xa6: {  	s4 =	sshll.u32 s26, $0x1;
	_ =	strace $0x8000004C;
	[dreg:$0x1] =	wrdreg $0xFFFFFFFF  }
0xa7: {  	s28 =	simm.s32 $_size_execute0_lowered;
	s2 =	sadd.s32 s2, s4;
	[dreg:$0x0] =	wrdreg $0x0  }
0xa8: {  	s4 =	sshll.u32 s28, $0x1;
	[dreg:$0x2] =	wrdreg s2  }
0xa9: {  	[dreg:$0x3] =	wrdreg s4  }
0xaa: {  	[dreg:$0x4] =	wrdreg $0xC0  }
0xab: {  	_ =	task [dreg:s6], $0x5FFFF  }
0xac: {  	[dreg:$0x1] =	wrdreg $0xFFFFFFFF  }
0xad: {  	[dreg:$0x0] =	wrdreg $0x60  }
0xae: {  	[dreg:$0x2] =	wrdreg s24  }
0xaf: {  	[dreg:$0x3] =	wrdreg $0x9  }
0xb0: {  	_ =	task.clear_ibuf [dreg:s6], $0x4FFFF;
	_ =	strace $0x9000004C  }
0xb1: {  	s29 =	simm.s32 $0x9;
	_ =	strace $0x8000004E  }
0xb2: {  	_ =	swait.ge [sflag:s29], $0x1  }
0xb3: {  	[sflag:s29] =	ssyncadd.s32 $0xFFFFFFFF  }
0xb4: {  	_ =	strace $0x9000004E  }
0xb5: {  	_ =	sfence  }
0xb6: {  	s30 =	sld [smem:$0x0];
	_ =	sdelay $0x2  }
0xb7: {  	s31 =	sshll.u32 s1, $0xD;
	s1 =	sshrl.u32 s1, $0x2  }
0xb8: {  	s3 =	sand.u32 $0x4000, s31;
	s1 =	sadd.s32 s1, s30  }
0xb9: {  	s0 =	sor.u32 s3, s0;
	s1 =	sshll.u32 s1, $0x11  }
0xba: {  	s0 =	sor.u32 s1, s0  }
0xbb: {  	s0 =	sadd.s32 $0x8F2B, s0  }
0xbc: {  	[sflag:s0] =	ssyncadd.remote.s32 $0x1  }
0xbd: {  	_ =	sfence.sel $0xFFFF  }
0xbe: {  	[dreg:$0x0] =	wrdreg $0xFFFFFFFF;
	(pc) =	sbr.abs _section_cstart, $3  }
0xbf: {  	[dreg:$0x1] =	wrdreg $0xFFFFFFFF  }
0xc0: {  	_ =	task.clear_ibuf [dreg:s6], $0x2FFFF;
	_ =	strace $0x9FFFFFFF  }
0xc1: {  	(tm) =	ssettm $0x7FFFFFFF  }
tec
execute0_lowered:
.L_overlay_start_1:
0x0: {  	(tag) =	ssettag $0x1  }
0x1: {  	s0 =	srdreg.scid;
	s5 =	rddreg [dreg:$0x0]  }
0x2: {  	s1 =	stileid.u32;
	s6 =	simm.s32 $0x1;
	s9 =	simm.s32 $0x1  }
0x3: {  	s10 =	simm.s32 $0x3;
	s13 =	simm.s32 $0x0;
	s2 =	sshll.u32 s0, $0xC  }
0x4: {  	s12 =	simm.s32 $0x0;
	s3 =	sshll.u32 s1, $0xD;
	s2 =	sand.u32 $0x1000, s2  }
0x5: {  	s0 =	rddreg [dreg:$0x1];
	_ =	strace $0x8000004D;
	s2 =	sor.u32 s3, s2  }
0x6: {  	s4 =	sadd.s32 $0x15E00, s5;
	[sflag:s6] =	ssyncpa.u1 $0x0;
	s8 =	ssub.s32 $0x30000, s2  }
.Ltmp0:
0x7: {  	s3 =	sadd.s32 $0x10E00, s5;
	s7 =	sand.u32 $0x1F000, s8;
	(pc) =	sbr.rel .LBB2_1-.Ltmp0, $4  }
0x8: {  	s5 =	sadd.s32 $0x1E00, s5;
	s11 =	smov.u32 s2;
	p0 =	sne.s32 s7, $0x0  }
0x9: {  	s8 =	sshrl.u32 s8, $0x11;
	s7 =	simm.s32 $0x2;
	s9 =	simm.s32 @!p0 $0x0  }
0xa: {  	[sflag:s7] =	ssyncpa.u1 $0x0;
	p0 =	por $0x0, $0x0;
	s8 =	sadd.s32 s9, s8  }
0xb: {  	vm0 =	vmmov $0xffff;
	[sflag:s10] =	ssyncpa.u1 $0x0;
	s10 =	simm.s32 $0x0;
	s9 =	sadd.s32 $0x1, s8  }
.LBB2_4:
0xc: {  	v2 =	vnsel vm1, $0x0, v2  }
0xd: {  	vm1 =	vgt.s32 v0, $0x0;
	v2 =	vmin.u32 v2, $0x270FF  }
0xe: {  	v0 =	vnsel vm1, $0x0, v0  }
0xf: {  	v0 =	vmin.u32 v0, $0x270FF  }
0x10: {  	[tilespmem:s15], [sflag:$0x1] =	stream.indirect_vreg.gather [hbm4b:s3+s10], $0x1, v1, vm0, $0x4038;
	[tilespmem:$0x4000] =	vst v63  }
0x11: {  	(ifvalue) =	ssetifvalue $0x7FFFFFFF  }
0x12: {  	[tilespmem:s16], [sflag:$0x1] =	stream.indirect_vreg.gather [hbm4b:s3+s10], $0x1, v2, vm0, $0x4038;
	[tilespmem:$0x4000] =	vst v63  }
0x13: {  	s29 =	sadd.s32 $0x10, s16;
	(ifvalue) =	ssetifvalue $0x7FFFFFFF  }
0x14: {  	[tilespmem:s29], [sflag:$0x1] =	stream.indirect_vreg.gather [hbm4b:s3+s10], $0x1, v0, vm0, $0x4038;
	[tilespmem:$0x4000] =	vst v63  }
0x15: {  	_ =	swait.ge [sflag:s6], $0x1000  }
0x16: {  	s30 =	sshrl.u32 s13, $0x3;
	[sflag:s6] =	ssyncset.done $0x0  }
0x17: {  	s31 =	sand.u32 $0x7, s13;
	s15 =	sadd.s32 s5, s30;
	[sflag:s6] =	ssyncadd.s32 $0xFFFFF000  }
0x18: {  	[hbm4b:s15+s31] =	stream.linear.scatter [tilespmem:s14], [sflag:$0x3], $0x1000, $0x38;
	[tilespmem:$0x4000] =	vst v63  }
.LBB2_5:
0x19: {  	s15 =	sadd.s32 $0x20000, s11  }
0x1a: {  	p2 =	sgt.s32 s15, $0x2FFFF  }
0x1b: {  	s15 =	smov.u32 @p2 s2;
	p2 =	sne.s32 s12, s9  }
.Ltmp1:
0x1c: {  	p1 =	slt.u32 s12, $0x2;
	(pc) =	sbr.rel @!p2 .LBB2_6-.Ltmp1, $4  }
0x1d: {  	s14 =	simm.s32 @!p1 $0x3  }
0x1e: {  	s16 =	sadd.s32 $0x1, s12;
	_ =	swait.ge @!p1 [sflag:s14], $0x1000  }
0x1f: {  	s13 =	smov.u32 s11;
	p0 =	por !p0, !p0;
	[sflag:s14] =	ssyncset.done @!p1 $0x0  }
0x20: {  	s12 =	smov.u32 s16;
	s11 =	smov.u32 s15;
	[sflag:s14] =	ssyncadd.s32 @!p1 $0xFFFFF000  }
.LBB2_1:
0x21: {  	p1 =	sge.u32 s12, s8  }
0x22: {  	s14 =	sxor.u32 @!p1 $0xFFFFFFFF, s12  }
0x23: {  	s31 =	sadd.s32 $0xFFFFFFFF, s12;
	s15 =	sshrl.u32 @!p1 s11, $0x3;
	s14 =	sshll.u32 @!p1 s14, $0xC  }
0x24: {  	s16 =	sand.u32 @!p1 $0x7, s11;
	s15 =	sadd.s32 @!p1 s4, s15;
	s14 =	sand.u32 @!p1 $0x1000, s14  }
0x25: {  	[tilespmem:s14], [sflag:$0x2] =	stream.linear.gather @!p1 [hbm4b:s15+s16], $0x1000, $0x38;
	[tilespmem:$0x4000] =	vst v63  }
0x26: {  	p1 =	sge.u32 s31, s8  }
.Ltmp2:
0x27: {  	_ = 	snop;
	(pc) =	sbr.rel @p1 .LBB2_5-.Ltmp2, $1  }
0x28: {  	_ =	sdelay $0x3  }
0x29: {  	s14 =	simm.s32 $0x1  }
0x2a: {  	_ =	swait.ge [sflag:s7], $0x1000;
	s14 =	simm.s32 @!p0 $0x0  }
0x2b: {  	[sflag:s7] =	ssyncset.done $0x0;
	s14 =	sshll.u32 s14, $0xC  }
0x2c: {  	[sflag:s7] =	ssyncadd.s32 $0xFFFFF000;
	(ifvalue) =	ssetifvalue $0x7FFFFFFF;
	v0 =	vld.msk [tilespmem:s14+$0x0 ss:$0x1], $0xffff;
	_ =	sdelay $0x4  }
0x2d: {  	s15 =	sadd.s32 $0x10, s14;
	vm1 =	vgt.s32 v0, $0x0  }
0x2e: {  	v2 =	vld.msk [tilespmem:s15+$0x0 ss:$0x1], $0xffff;
	v1 =	vnsel vm1, $0x0, v0  }
0x2f: {  	v1 =	vmin.u32 v1, $0x270FF;
	_ =	sdelay $0x1  }
0x30: {  	s16 =	sshll.u32 s12, $0xC;
	s18 =	simm.s32 $0x20  }
0x31: {  	s16 =	sand.u32 $0x1000, s16;
	s17 =	sadd.s32 $0x10, s15;
	s15 =	sor.u32 $0x2000, s14  }
0x32: {  	s14 =	sor.u32 $0x2000, s16;
	s16 =	sadd.s32 $0x10, s15;
	v0 =	vld.msk [tilespmem:s17+$0x0 ss:$0x1], $0xffff;
	vm1 =	vgt.s32 v2, $0x0;
	(ifvalue) =	ssetifvalue $0x7FFFFFFF  }
.LBB2_3:
0x33: {  	[tilespmem:s15], [sflag:$0x1] =	stream.indirect_vreg.gather [hbm4b:s3+s10], $0x1, v1, vm0, $0x4038;
	[tilespmem:$0x4000] =	vst v63  }
0x34: {  	s18 =	sadd.s32 $0x10, s18  }
0x35: {  	v2 =	vnsel vm1, $0x0, v2;
	p1 =	slt.u32 s18, $0xFF0  }
.Ltmp3:
0x36: {  	s15 =	smov.u32 s16;
	v1 =	vmin.u32 v2, $0x270FF;
	(pc) =	sbr.rel @p1 .LBB2_3-.Ltmp3, $3  }
0x37: {  	_ =	sdelay $0x1  }
0x38: {  	s17 =	sadd.s32 $0x10, s17  }
0x39: {  	vm1 =	vgt.s32 v0, $0x0;
	s16 =	sadd.s32 $0x10, s16;
	v2 =	vmov v0;
	(ifvalue) =	ssetifvalue $0x7FFFFFFF;
	v0 =	vld.msk [tilespmem:s17+$0x0 ss:$0x1], $0xffff  }
.Ltmp4:
0x3a: {  	_ = 	snop;
	(pc) =	sbr.rel .LBB2_4-.Ltmp4, $1  }
0x3b: {  	_ =	sdelay $0x3  }
.LBB2_6:
0x3c: {  	_ =	sfence.sel $0x180000  }
0x3d: {  	s2 =	simm.s32 $0x2;
	[bflag:$0x0] =	sbarrier.arrive $0xFFFF  }
0x3e: {  	s30 =	simm.s32 $0x3;
	[sflag:s2] =	ssyncpa.u1 $0x1  }
0x3f: {  	s31 =	simm.s32 $0x1;
	[sflag:s30] =	ssyncpa.u1 $0x1  }
0x40: {  	[sflag:s31] =	ssyncpa.u1 $0x1  }
0x41: {  	p0 =	sne.s32 s1, $0x0;
	_ =	strace $0x9000004D  }
0x42: {  	s0 =	sadd.s32 @!p0 $0x100000, s0;
	[bflag:$0x2] =	sbarrier.arrive $0xFFFF  }
0x43: {  	[sflag:s0] =	ssyncadd.tile.s32 @!p0 $0x1;
	_ =	shalt  }
.Lfunc_end2:
_tile_overlayer_lowered:
.L_overlay_start_2:
0x44: {  	(tag) =	ssettag $0x2  }
0x45: {  	s0 =	rddreg [dreg:$0x0];
	s2 =	stileid.u32  }
0x46: {  	s1 =	rddreg [dreg:$0x1];
	p0 =	sne.s32 s2, $0x0  }
0x47: {  	s3 =	rddreg [dreg:$0x2];
	[bflag:$0x3] =	sbarrier.arrive $0xFFFF;
	s2 =	simm.s32 @!p0 $0x1C01  }
0x48: {  	[timem:s3], [sflag:s2] =	dma.local @!p0 [hbm:s0], s1  }
0x49: {  	s0 =	simm.s32 @!p0 $0x1  }
0x4a: {  	_ =	swait.ge @!p0 [sflag:s0], s1  }
0x4b: {  	s1 =	ssub.s32 @!p0 $0x0, s1;
	[sflag:s0] =	ssyncset.done @!p0 $0x0  }
0x4c: {  	[sflag:s0] =	ssyncadd.s32 @!p0 s1  }
0x4d: {  	[bflag:$0x3] =	sbarrier.arrive $0xFFFF  }
0x4e: {  	_ =	shalt  }

// kernel: gather_offload_async_start.3
scs
__scs_entry_jumppad:
0x0: {  	(pc) =	sbr.rel $0x88, $3  }
0x1: {  	(tag) =	ssettag $0x0;
	lr =	simm.s32 $0x1  }
0x2: {  	[smem:$0x3F95] =	sst lr;
	_ =	strace $0xD0000000  }
0x3: {  	_ = 	snop  }
0x4: {  	_ = 	snop  }
0x5: {  	_ = 	snop  }
0x6: {  	_ = 	snop  }
0x7: {  	_ = 	snop  }
__scs_overlays_trampoline_lowered:
0x8: {  	[smem:$0x3FA4] =	sst s0  }
0x9: {  	[smem:$0x3FA5] =	sst s1  }
0xa: {  	[smem:$0x3FA6] =	sst s2  }
0xb: {  	[smem:$0x3FA7] =	sst s3  }
0xc: {  	[smem:$0x3FA8] =	sst s4  }
0xd: {  	[smem:$0x3FA9] =	sst s5  }
0xe: {  	[smem:$0x3FAA] =	sst s6  }
0xf: {  	[smem:$0x3FAB] =	sst s7  }
0x10: {  	[smem:$0x3FAC] =	sst s8  }
0x11: {  	[smem:$0x3FAD] =	sst s9;
	s0 =	simm.s32 @!p0 $0x0  }
0x12: {  	s1 =	sld [smem:$0x3F93];
	s0 =	simm.s32 @p0 $0x1  }
0x13: {  	[smem:$0x3FAE] =	sst s0;
	s0 =	simm.s32 @!p1 $0x0  }
0x14: {  	s2 =	sld [smem:$0x3F92];
	s0 =	simm.s32 @p1 $0x1  }
0x15: {  	[smem:$0x3FAF] =	sst s0;
	s0 =	simm.s32 @!p2 $0x0  }
0x16: {  	s3 =	sld [smem:$0x3FDB];
	s0 =	simm.s32 @p2 $0x1  }
0x17: {  	s4 =	simm.s32 $0x1BF5;
	[smem:$0x3FB1] =	sst s0  }
0x18: {  	s0 =	sld [smem:$0x3F94];
	_ =	swait.ge [sflag:s4], $0x0  }
0x19: {  	s7 =	sld [smem:$0x3F95]  }
0x1a: {  	s8 =	sadd.s32 $0xFFFFE003, lr  }
0x1b: {  	s9 =	sadd.s32 $0xFFFFFEF7, lr;
	s5 =	simm.s32 $0xFFFFFFFF;
	p2 =	slt.u32 s8, $0xFFFFF086  }
0x1c: {  	p1 =	slt.u32 s9, $0xF7A;
	s5 =	simm.s32 @!p2 $0x0  }
0x1d: {  	s5 =	simm.s32 @p1 $0x1;
	p0 =	seq.s32 s7, s2  }
0x1e: {  	s7 =	smul.u32 @!p0 $0xF7A, s2;
	p2 =	seq.s32 @!p0 s5, $0x0  }
0x1f: {  	s9 =	smul.u32 $0xF7A, s1;
	s8 =	simm.s32 @!p0 $0x1BF5;
	p2 =	por !p2, p0  }
0x20: {  	[sflag:s8] =	ssyncset.s32 @!p0 $0xFFFFF086;
	s6 =	sadd.s32 @!p0 s3, s7;
	s7 =	simm.s32 @!p0 $0x108  }
0x21: {  	s3 =	sadd.s32 s3, s9;
	s6 =	sadd.s32 @!p0 $0x88, s6;
	s7 =	simm.s32 @p2 $0x1082  }
0x22: {  	[simem:s7], [sflag:s8] =	dma.local @!p0 [hbm:s6], $0xF7A  }
0x23: {  	s9 =	sor.u32 $0xD0000000, s2;
	s6 =	simm.s32 $0x108;
	_ =	swait.ge @!p0 [sflag:s8], $0x0  }
0x24: {  	s3 =	sadd.s32 $0x88, s3;
	s6 =	simm.s32 @!p1 $0x1082;
	[sflag:s4] =	ssyncset.s32 $0xFFFFF086  }
0x25: {  	[simem:s6], [sflag:s4] =	dma.local [hbm:s3], $0xF7A  }
0x26: {  	[smem:$0x3F95] =	sst s1;
	(tag) =	ssettag s2;
	_ =	strace s9  }
0x27: {  	s1 =	sld [smem:$0x3FA5]  }
0x28: {  	s2 =	sld [smem:$0x3FA6]  }
0x29: {  	s4 =	sld [smem:$0x3FA8]  }
0x2a: {  	p0 =	seq.s32 s5, $0x0;
	s5 =	sld [smem:$0x3FA9]  }
0x2b: {  	s6 =	sld [smem:$0x3FAA]  }
0x2c: {  	s7 =	sld [smem:$0x3FAB]  }
0x2d: {  	s3 =	simm.s32 $0x108;
	s8 =	sld [smem:$0x3FAC]  }
0x2e: {  	s3 =	simm.s32 @!p0 $0x1082;
	s9 =	sld [smem:$0x3FAD]  }
0x2f: {  	lr =	sadd.s32 s0, s3;
	s0 =	sld [smem:$0x3FA4]  }
0x30: {  	s3 =	sld [smem:$0x3FA7]  }
0x31: {  	[smem:$0x3FB0] =	sst s10  }
0x32: {  	s10 =	sld [smem:$0x3FAE];
	_ =	sdelay $0x3  }
0x33: {  	p0 =	seq.s32 s10, $0x1;
	s10 =	sld [smem:$0x3FB0];
	_ =	sdelay $0x3  }
0x34: {  	[smem:$0x3FB0] =	sst s10  }
0x35: {  	s10 =	sld [smem:$0x3FAF];
	_ =	sdelay $0x3  }
0x36: {  	p1 =	seq.s32 s10, $0x1;
	s10 =	sld [smem:$0x3FB0];
	_ =	sdelay $0x3  }
0x37: {  	[smem:$0x3FB0] =	sst s10  }
0x38: {  	s10 =	sld [smem:$0x3FB1]  }
0x39: {  	_ = 	snop;
	(pc) =	sbr.ind lr, $3  }
0x3a: {  	_ = 	snop  }
0x3b: {  	_ = 	snop  }
0x3c: {  	p2 =	seq.s32 s10, $0x1;
	s10 =	sld [smem:$0x3FB0]  }
0x3d: {  	_ =	shalt  }
0x3e: {  	_ =	shalt  }
0x3f: {  	_ =	shalt  }
0x40: {  	_ =	shalt  }
0x41: {  	_ =	shalt  }
0x42: {  	_ =	shalt  }
0x43: {  	_ =	shalt  }
0x44: {  	_ =	shalt  }
0x45: {  	_ =	shalt  }
0x46: {  	_ =	shalt  }
0x47: {  	_ =	shalt  }
0x48: {  	_ =	shalt  }
0x49: {  	_ =	shalt  }
0x4a: {  	_ =	shalt  }
0x4b: {  	_ =	shalt  }
0x4c: {  	_ =	shalt  }
0x4d: {  	_ =	shalt  }
0x4e: {  	_ =	shalt  }
0x4f: {  	_ =	shalt  }
0x50: {  	_ =	shalt  }
0x51: {  	_ =	shalt  }
0x52: {  	_ =	shalt  }
0x53: {  	_ =	shalt  }
0x54: {  	_ =	shalt  }
0x55: {  	_ =	shalt  }
0x56: {  	_ =	shalt  }
0x57: {  	_ =	shalt  }
0x58: {  	_ =	shalt  }
0x59: {  	_ =	shalt  }
0x5a: {  	_ =	shalt  }
0x5b: {  	_ =	shalt  }
0x5c: {  	_ =	shalt  }
0x5d: {  	_ =	shalt  }
0x5e: {  	_ =	shalt  }
0x5f: {  	_ =	shalt  }
0x60: {  	_ =	shalt  }
0x61: {  	_ =	shalt  }
0x62: {  	_ =	shalt  }
0x63: {  	_ =	shalt  }
0x64: {  	_ =	shalt  }
0x65: {  	_ =	shalt  }
0x66: {  	_ =	shalt  }
0x67: {  	_ =	shalt  }
0x68: {  	_ =	shalt  }
0x69: {  	_ =	shalt  }
0x6a: {  	_ =	shalt  }
0x6b: {  	_ =	shalt  }
0x6c: {  	_ =	shalt  }
0x6d: {  	_ =	shalt  }
0x6e: {  	_ =	shalt  }
0x6f: {  	_ =	shalt  }
0x70: {  	_ =	shalt  }
0x71: {  	_ =	shalt  }
0x72: {  	_ =	shalt  }
0x73: {  	_ =	shalt  }
0x74: {  	_ =	shalt  }
0x75: {  	_ =	shalt  }
0x76: {  	_ =	shalt  }
0x77: {  	_ =	shalt  }
0x78: {  	_ =	shalt  }
0x79: {  	_ =	shalt  }
0x7a: {  	_ =	shalt  }
0x7b: {  	_ =	shalt  }
0x7c: {  	_ =	shalt  }
0x7d: {  	_ =	shalt  }
0x7e: {  	_ =	shalt  }
0x7f: {  	_ =	shalt  }
0x80: {  	_ =	shalt  }
0x81: {  	_ =	shalt  }
0x82: {  	_ =	shalt  }
0x83: {  	_ =	shalt  }
0x84: {  	_ =	shalt  }
0x85: {  	_ =	shalt  }
0x86: {  	_ =	shalt  }
0x87: {  	_ =	shalt  }
.Lfunc_end0:
.L_simem_size_0:
called_computation.3_lowered:
.L_overlay_start_0:
0x88: {  	s2 =	sld [smem:$0x3FD9]  }
0x89: {  	s3 =	sld [smem:$0x3FFE];
	_ =	sdelay $0x1  }
0x8a: {  	s1 =	srdreg.scid  }
0x8b: {  	s0 =	sand.u32 $0x1, s1  }
0x8c: {  	s16 =	sshll.u32 s0, $0xA;
	s2 =	sadd.s32 s3, s2  }
0x8d: {  	s2 =	sadd.s32 s2, s16  }
0x8e: {  	[smem:$0x3FBC] =	sst s2  }
0x8f: {  	_ = 	snop  }
0x90: {  	(tm) =	ssettm $0x1  }
0x91: {  	s17 =	sld [smem:$0x3FFB];
	_ =	sdelay $0x3  }
0x92: {  	_ =	strace s17  }
0x93: {  	s2 =	sld [smem:$0x3FFC];
	_ =	sdelay $0x3  }
0x94: {  	_ =	strace s2  }
0x95: {  	s2 =	sld [smem:$0x3FFD];
	_ =	sdelay $0x3  }
0x96: {  	_ =	strace s2  }
0x97: {  	_ =	strace $0x8FFFFFFF  }
0x98: {  	s18 =	sld [smem:$0x3FDB];
	_ =	sdelay $0x1  }
0x99: {  	s19 =	simm.s32 $_scs_section_size  }
0x9a: {  	s4 =	simm.s32 $_size__tile_overlayer_lowered;
	s5 =	simm.s32 $_tile_overlayer_lowered  }
0x9b: {  	s22 =	simm.s32 $0x1BFF;
	s21 =	sshll.u32 s5, $0x1;
	s2 =	sadd.s32 s19, s18  }
0x9c: {  	s6 =	simm.s32 $0x0;
	s20 =	sshll.u32 s4, $0x1;
	s4 =	sadd.s32 s21, s2  }
0x9d: {  	[timem:s6], [sflag:s22] =	dma.local [hbm:s4], s20  }
0x9e: {  	_ =	swait.ge [sflag:s22], s20  }
0x9f: {  	s3 =	ssub.s32 $0x0, s20;
	[sflag:s22] =	ssyncset.done $0x0  }
0xa0: {  	[sflag:s22] =	ssyncadd.s32 s3;
	_ =	sdelay $0x1  }
0xa1: {  	s23 =	simm.s32 $0x1B8B  }
0xa2: {  	_ =	swait.ge [sflag:s23], $0x1  }
0xa3: {  	[sflag:s23] =	ssyncset.done $0x0  }
0xa4: {  	s25 =	simm.s32 $0x1B8E;
	s24 =	sld [smem:$0x3FFE];
	[sflag:s23] =	ssyncadd.s32 $0xFFFFFFFF  }
0xa5: {  	s26 =	simm.s32 $execute0_lowered;
	[smem:$0x3FD2] =	sst s25  }
0xa6: {  	s4 =	sshll.u32 s26, $0x1;
	_ =	strace $0x8000004F;
	[dreg:$0x1] =	wrdreg $0xFFFFFFFF  }
0xa7: {  	s28 =	simm.s32 $_size_execute0_lowered;
	s2 =	sadd.s32 s2, s4;
	[dreg:$0x0] =	wrdreg $0x0  }
0xa8: {  	s4 =	sshll.u32 s28, $0x1;
	[dreg:$0x2] =	wrdreg s2  }
0xa9: {  	[dreg:$0x3] =	wrdreg s4  }
0xaa: {  	[dreg:$0x4] =	wrdreg $0xC0  }
0xab: {  	_ =	task [dreg:s6], $0x5FFFF  }
0xac: {  	[dreg:$0x1] =	wrdreg $0xFFFFFFFF  }
0xad: {  	[dreg:$0x0] =	wrdreg $0x60  }
0xae: {  	[dreg:$0x2] =	wrdreg s24  }
0xaf: {  	[dreg:$0x3] =	wrdreg $0x9  }
0xb0: {  	_ =	task.clear_ibuf [dreg:s6], $0x4FFFF;
	_ =	strace $0x9000004F  }
0xb1: {  	s29 =	simm.s32 $0x9;
	_ =	strace $0x80000051  }
0xb2: {  	_ =	swait.ge [sflag:s29], $0x1  }
0xb3: {  	[sflag:s29] =	ssyncadd.s32 $0xFFFFFFFF  }
0xb4: {  	_ =	strace $0x90000051  }
0xb5: {  	_ =	sfence  }
0xb6: {  	s30 =	sld [smem:$0x0];
	_ =	sdelay $0x2  }
0xb7: {  	s31 =	sshll.u32 s1, $0xD;
	s1 =	sshrl.u32 s1, $0x2  }
0xb8: {  	s3 =	sand.u32 $0x4000, s31;
	s1 =	sadd.s32 s1, s30  }
0xb9: {  	s0 =	sor.u32 s3, s0;
	s1 =	sshll.u32 s1, $0x11  }
0xba: {  	s0 =	sor.u32 s1, s0  }
0xbb: {  	s0 =	sadd.s32 $0x8F2B, s0  }
0xbc: {  	[sflag:s0] =	ssyncadd.remote.s32 $0x1  }
0xbd: {  	_ =	sfence.sel $0xFFFF  }
0xbe: {  	[dreg:$0x0] =	wrdreg $0xFFFFFFFF;
	(pc) =	sbr.abs _section_cstart, $3  }
0xbf: {  	[dreg:$0x1] =	wrdreg $0xFFFFFFFF  }
0xc0: {  	_ =	task.clear_ibuf [dreg:s6], $0x2FFFF;
	_ =	strace $0x9FFFFFFF  }
0xc1: {  	(tm) =	ssettm $0x7FFFFFFF  }
tec
execute0_lowered:
.L_overlay_start_1:
0x0: {  	(tag) =	ssettag $0x1  }
0x1: {  	s0 =	srdreg.scid;
	s5 =	rddreg [dreg:$0x0]  }
0x2: {  	s1 =	stileid.u32;
	s6 =	simm.s32 $0x1;
	s9 =	simm.s32 $0x1  }
0x3: {  	s10 =	simm.s32 $0x3;
	s13 =	simm.s32 $0x0;
	s2 =	sshll.u32 s0, $0xC  }
0x4: {  	s12 =	simm.s32 $0x0;
	s3 =	sshll.u32 s1, $0xD;
	s2 =	sand.u32 $0x1000, s2  }
0x5: {  	s0 =	rddreg [dreg:$0x1];
	_ =	strace $0x80000050;
	s2 =	sor.u32 s3, s2  }
0x6: {  	s4 =	sadd.s32 $0x15E00, s5;
	[sflag:s6] =	ssyncpa.u1 $0x0;
	s8 =	ssub.s32 $0x30000, s2  }
.Ltmp0:
0x7: {  	s3 =	sadd.s32 $0xBE00, s5;
	s7 =	sand.u32 $0x1F000, s8;
	(pc) =	sbr.rel .LBB2_1-.Ltmp0, $4  }
0x8: {  	s5 =	sadd.s32 $0x1E00, s5;
	s11 =	smov.u32 s2;
	p0 =	sne.s32 s7, $0x0  }
0x9: {  	s8 =	sshrl.u32 s8, $0x11;
	s7 =	simm.s32 $0x2;
	s9 =	simm.s32 @!p0 $0x0  }
0xa: {  	[sflag:s7] =	ssyncpa.u1 $0x0;
	p0 =	por $0x0, $0x0;
	s8 =	sadd.s32 s9, s8  }
0xb: {  	vm0 =	vmmov $0xffff;
	[sflag:s10] =	ssyncpa.u1 $0x0;
	s10 =	simm.s32 $0x0;
	s9 =	sadd.s32 $0x1, s8  }
.LBB2_4:
0xc: {  	v2 =	vnsel vm1, $0x0, v2  }
0xd: {  	vm1 =	vgt.s32 v0, $0x0;
	v2 =	vmin.u32 v2, $0x270FF  }
0xe: {  	v0 =	vnsel vm1, $0x0, v0  }
0xf: {  	v0 =	vmin.u32 v0, $0x270FF  }
0x10: {  	[tilespmem:s15], [sflag:$0x1] =	stream.indirect_vreg.gather [hbm4b:s3+s10], $0x1, v1, vm0, $0x4038;
	[tilespmem:$0x4000] =	vst v63  }
0x11: {  	(ifvalue) =	ssetifvalue $0x7FFFFFFF  }
0x12: {  	[tilespmem:s16], [sflag:$0x1] =	stream.indirect_vreg.gather [hbm4b:s3+s10], $0x1, v2, vm0, $0x4038;
	[tilespmem:$0x4000] =	vst v63  }
0x13: {  	s29 =	sadd.s32 $0x10, s16;
	(ifvalue) =	ssetifvalue $0x7FFFFFFF  }
0x14: {  	[tilespmem:s29], [sflag:$0x1] =	stream.indirect_vreg.gather [hbm4b:s3+s10], $0x1, v0, vm0, $0x4038;
	[tilespmem:$0x4000] =	vst v63  }
0x15: {  	_ =	swait.ge [sflag:s6], $0x1000  }
0x16: {  	s30 =	sshrl.u32 s13, $0x3;
	[sflag:s6] =	ssyncset.done $0x0  }
0x17: {  	s31 =	sand.u32 $0x7, s13;
	s15 =	sadd.s32 s5, s30;
	[sflag:s6] =	ssyncadd.s32 $0xFFFFF000  }
0x18: {  	[hbm4b:s15+s31] =	stream.linear.scatter [tilespmem:s14], [sflag:$0x3], $0x1000, $0x38;
	[tilespmem:$0x4000] =	vst v63  }
.LBB2_5:
0x19: {  	s15 =	sadd.s32 $0x20000, s11  }
0x1a: {  	p2 =	sgt.s32 s15, $0x2FFFF  }
0x1b: {  	s15 =	smov.u32 @p2 s2;
	p2 =	sne.s32 s12, s9  }
.Ltmp1:
0x1c: {  	p1 =	slt.u32 s12, $0x2;
	(pc) =	sbr.rel @!p2 .LBB2_6-.Ltmp1, $4  }
0x1d: {  	s14 =	simm.s32 @!p1 $0x3  }
0x1e: {  	s16 =	sadd.s32 $0x1, s12;
	_ =	swait.ge @!p1 [sflag:s14], $0x1000  }
0x1f: {  	s13 =	smov.u32 s11;
	p0 =	por !p0, !p0;
	[sflag:s14] =	ssyncset.done @!p1 $0x0  }
0x20: {  	s12 =	smov.u32 s16;
	s11 =	smov.u32 s15;
	[sflag:s14] =	ssyncadd.s32 @!p1 $0xFFFFF000  }
.LBB2_1:
0x21: {  	p1 =	sge.u32 s12, s8  }
0x22: {  	s14 =	sxor.u32 @!p1 $0xFFFFFFFF, s12  }
0x23: {  	s31 =	sadd.s32 $0xFFFFFFFF, s12;
	s15 =	sshrl.u32 @!p1 s11, $0x3;
	s14 =	sshll.u32 @!p1 s14, $0xC  }
0x24: {  	s16 =	sand.u32 @!p1 $0x7, s11;
	s15 =	sadd.s32 @!p1 s4, s15;
	s14 =	sand.u32 @!p1 $0x1000, s14  }
0x25: {  	[tilespmem:s14], [sflag:$0x2] =	stream.linear.gather @!p1 [hbm4b:s15+s16], $0x1000, $0x38;
	[tilespmem:$0x4000] =	vst v63  }
0x26: {  	p1 =	sge.u32 s31, s8  }
.Ltmp2:
0x27: {  	_ = 	snop;
	(pc) =	sbr.rel @p1 .LBB2_5-.Ltmp2, $1  }
0x28: {  	_ =	sdelay $0x3  }
0x29: {  	s14 =	simm.s32 $0x1  }
0x2a: {  	_ =	swait.ge [sflag:s7], $0x1000;
	s14 =	simm.s32 @!p0 $0x0  }
0x2b: {  	[sflag:s7] =	ssyncset.done $0x0;
	s14 =	sshll.u32 s14, $0xC  }
0x2c: {  	[sflag:s7] =	ssyncadd.s32 $0xFFFFF000;
	(ifvalue) =	ssetifvalue $0x7FFFFFFF;
	v0 =	vld.msk [tilespmem:s14+$0x0 ss:$0x1], $0xffff;
	_ =	sdelay $0x4  }
0x2d: {  	s15 =	sadd.s32 $0x10, s14;
	vm1 =	vgt.s32 v0, $0x0  }
0x2e: {  	v2 =	vld.msk [tilespmem:s15+$0x0 ss:$0x1], $0xffff;
	v1 =	vnsel vm1, $0x0, v0  }
0x2f: {  	v1 =	vmin.u32 v1, $0x270FF;
	_ =	sdelay $0x1  }
0x30: {  	s16 =	sshll.u32 s12, $0xC;
	s18 =	simm.s32 $0x20  }
0x31: {  	s16 =	sand.u32 $0x1000, s16;
	s17 =	sadd.s32 $0x10, s15;
	s15 =	sor.u32 $0x2000, s14  }
0x32: {  	s14 =	sor.u32 $0x2000, s16;
	s16 =	sadd.s32 $0x10, s15;
	v0 =	vld.msk [tilespmem:s17+$0x0 ss:$0x1], $0xffff;
	vm1 =	vgt.s32 v2, $0x0;
	(ifvalue) =	ssetifvalue $0x7FFFFFFF  }
.LBB2_3:
0x33: {  	[tilespmem:s15], [sflag:$0x1] =	stream.indirect_vreg.gather [hbm4b:s3+s10], $0x1, v1, vm0, $0x4038;
	[tilespmem:$0x4000] =	vst v63  }
0x34: {  	s18 =	sadd.s32 $0x10, s18  }
0x35: {  	v2 =	vnsel vm1, $0x0, v2;
	p1 =	slt.u32 s18, $0xFF0  }
.Ltmp3:
0x36: {  	s15 =	smov.u32 s16;
	v1 =	vmin.u32 v2, $0x270FF;
	(pc) =	sbr.rel @p1 .LBB2_3-.Ltmp3, $3  }
0x37: {  	_ =	sdelay $0x1  }
0x38: {  	s17 =	sadd.s32 $0x10, s17  }
0x39: {  	vm1 =	vgt.s32 v0, $0x0;
	s16 =	sadd.s32 $0x10, s16;
	v2 =	vmov v0;
	(ifvalue) =	ssetifvalue $0x7FFFFFFF;
	v0 =	vld.msk [tilespmem:s17+$0x0 ss:$0x1], $0xffff  }
.Ltmp4:
0x3a: {  	_ = 	snop;
	(pc) =	sbr.rel .LBB2_4-.Ltmp4, $1  }
0x3b: {  	_ =	sdelay $0x3  }
.LBB2_6:
0x3c: {  	_ =	sfence.sel $0x180000  }
0x3d: {  	s2 =	simm.s32 $0x2;
	[bflag:$0x0] =	sbarrier.arrive $0xFFFF  }
0x3e: {  	s30 =	simm.s32 $0x3;
	[sflag:s2] =	ssyncpa.u1 $0x1  }
0x3f: {  	s31 =	simm.s32 $0x1;
	[sflag:s30] =	ssyncpa.u1 $0x1  }
0x40: {  	[sflag:s31] =	ssyncpa.u1 $0x1  }
0x41: {  	p0 =	sne.s32 s1, $0x0;
	_ =	strace $0x90000050  }
0x42: {  	s0 =	sadd.s32 @!p0 $0x100000, s0;
	[bflag:$0x2] =	sbarrier.arrive $0xFFFF  }
0x43: {  	[sflag:s0] =	ssyncadd.tile.s32 @!p0 $0x1;
	_ =	shalt  }
.Lfunc_end2:
_tile_overlayer_lowered:
.L_overlay_start_2:
0x44: {  	(tag) =	ssettag $0x2  }
0x45: {  	s0 =	rddreg [dreg:$0x0];
	s2 =	stileid.u32  }
0x46: {  	s1 =	rddreg [dreg:$0x1];
	p0 =	sne.s32 s2, $0x0  }
0x47: {  	s3 =	rddreg [dreg:$0x2];
	[bflag:$0x3] =	sbarrier.arrive $0xFFFF;
	s2 =	simm.s32 @!p0 $0x1C01  }
0x48: {  	[timem:s3], [sflag:s2] =	dma.local @!p0 [hbm:s0], s1  }
0x49: {  	s0 =	simm.s32 @!p0 $0x1  }
0x4a: {  	_ =	swait.ge @!p0 [sflag:s0], s1  }
0x4b: {  	s1 =	ssub.s32 @!p0 $0x0, s1;
	[sflag:s0] =	ssyncset.done @!p0 $0x0  }
0x4c: {  	[sflag:s0] =	ssyncadd.s32 @!p0 s1  }
0x4d: {  	[bflag:$0x3] =	sbarrier.arrive $0xFFFF  }
0x4e: {  	_ =	shalt  }

// kernel: gather_offload_async_start
scs
__scs_entry_jumppad:
0x0: {  	(pc) =	sbr.rel $0x88, $3  }
0x1: {  	(tag) =	ssettag $0x0;
	lr =	simm.s32 $0x1  }
0x2: {  	[smem:$0x3F95] =	sst lr;
	_ =	strace $0xD0000000  }
0x3: {  	_ = 	snop  }
0x4: {  	_ = 	snop  }
0x5: {  	_ = 	snop  }
0x6: {  	_ = 	snop  }
0x7: {  	_ = 	snop  }
__scs_overlays_trampoline_lowered:
0x8: {  	[smem:$0x3FA4] =	sst s0  }
0x9: {  	[smem:$0x3FA5] =	sst s1  }
0xa: {  	[smem:$0x3FA6] =	sst s2  }
0xb: {  	[smem:$0x3FA7] =	sst s3  }
0xc: {  	[smem:$0x3FA8] =	sst s4  }
0xd: {  	[smem:$0x3FA9] =	sst s5  }
0xe: {  	[smem:$0x3FAA] =	sst s6  }
0xf: {  	[smem:$0x3FAB] =	sst s7  }
0x10: {  	[smem:$0x3FAC] =	sst s8  }
0x11: {  	[smem:$0x3FAD] =	sst s9;
	s0 =	simm.s32 @!p0 $0x0  }
0x12: {  	s1 =	sld [smem:$0x3F93];
	s0 =	simm.s32 @p0 $0x1  }
0x13: {  	[smem:$0x3FAE] =	sst s0;
	s0 =	simm.s32 @!p1 $0x0  }
0x14: {  	s2 =	sld [smem:$0x3F92];
	s0 =	simm.s32 @p1 $0x1  }
0x15: {  	[smem:$0x3FAF] =	sst s0;
	s0 =	simm.s32 @!p2 $0x0  }
0x16: {  	s3 =	sld [smem:$0x3FDB];
	s0 =	simm.s32 @p2 $0x1  }
0x17: {  	s4 =	simm.s32 $0x1BF5;
	[smem:$0x3FB1] =	sst s0  }
0x18: {  	s0 =	sld [smem:$0x3F94];
	_ =	swait.ge [sflag:s4], $0x0  }
0x19: {  	s7 =	sld [smem:$0x3F95]  }
0x1a: {  	s8 =	sadd.s32 $0xFFFFE003, lr  }
0x1b: {  	s9 =	sadd.s32 $0xFFFFFEF7, lr;
	s5 =	simm.s32 $0xFFFFFFFF;
	p2 =	slt.u32 s8, $0xFFFFF086  }
0x1c: {  	p1 =	slt.u32 s9, $0xF7A;
	s5 =	simm.s32 @!p2 $0x0  }
0x1d: {  	s5 =	simm.s32 @p1 $0x1;
	p0 =	seq.s32 s7, s2  }
0x1e: {  	s7 =	smul.u32 @!p0 $0xF7A, s2;
	p2 =	seq.s32 @!p0 s5, $0x0  }
0x1f: {  	s9 =	smul.u32 $0xF7A, s1;
	s8 =	simm.s32 @!p0 $0x1BF5;
	p2 =	por !p2, p0  }
0x20: {  	[sflag:s8] =	ssyncset.s32 @!p0 $0xFFFFF086;
	s6 =	sadd.s32 @!p0 s3, s7;
	s7 =	simm.s32 @!p0 $0x108  }
0x21: {  	s3 =	sadd.s32 s3, s9;
	s6 =	sadd.s32 @!p0 $0x88, s6;
	s7 =	simm.s32 @p2 $0x1082  }
0x22: {  	[simem:s7], [sflag:s8] =	dma.local @!p0 [hbm:s6], $0xF7A  }
0x23: {  	s9 =	sor.u32 $0xD0000000, s2;
	s6 =	simm.s32 $0x108;
	_ =	swait.ge @!p0 [sflag:s8], $0x0  }
0x24: {  	s3 =	sadd.s32 $0x88, s3;
	s6 =	simm.s32 @!p1 $0x1082;
	[sflag:s4] =	ssyncset.s32 $0xFFFFF086  }
0x25: {  	[simem:s6], [sflag:s4] =	dma.local [hbm:s3], $0xF7A  }
0x26: {  	[smem:$0x3F95] =	sst s1;
	(tag) =	ssettag s2;
	_ =	strace s9  }
0x27: {  	s1 =	sld [smem:$0x3FA5]  }
0x28: {  	s2 =	sld [smem:$0x3FA6]  }
0x29: {  	s4 =	sld [smem:$0x3FA8]  }
0x2a: {  	p0 =	seq.s32 s5, $0x0;
	s5 =	sld [smem:$0x3FA9]  }
0x2b: {  	s6 =	sld [smem:$0x3FAA]  }
0x2c: {  	s7 =	sld [smem:$0x3FAB]  }
0x2d: {  	s3 =	simm.s32 $0x108;
	s8 =	sld [smem:$0x3FAC]  }
0x2e: {  	s3 =	simm.s32 @!p0 $0x1082;
	s9 =	sld [smem:$0x3FAD]  }
0x2f: {  	lr =	sadd.s32 s0, s3;
	s0 =	sld [smem:$0x3FA4]  }
0x30: {  	s3 =	sld [smem:$0x3FA7]  }
0x31: {  	[smem:$0x3FB0] =	sst s10  }
0x32: {  	s10 =	sld [smem:$0x3FAE];
	_ =	sdelay $0x3  }
0x33: {  	p0 =	seq.s32 s10, $0x1;
	s10 =	sld [smem:$0x3FB0];
	_ =	sdelay $0x3  }
0x34: {  	[smem:$0x3FB0] =	sst s10  }
0x35: {  	s10 =	sld [smem:$0x3FAF];
	_ =	sdelay $0x3  }
0x36: {  	p1 =	seq.s32 s10, $0x1;
	s10 =	sld [smem:$0x3FB0];
	_ =	sdelay $0x3  }
0x37: {  	[smem:$0x3FB0] =	sst s10  }
0x38: {  	s10 =	sld [smem:$0x3FB1]  }
0x39: {  	_ = 	snop;
	(pc) =	sbr.ind lr, $3  }
0x3a: {  	_ = 	snop  }
0x3b: {  	_ = 	snop  }
0x3c: {  	p2 =	seq.s32 s10, $0x1;
	s10 =	sld [smem:$0x3FB0]  }
0x3d: {  	_ =	shalt  }
0x3e: {  	_ =	shalt  }
0x3f: {  	_ =	shalt  }
0x40: {  	_ =	shalt  }
0x41: {  	_ =	shalt  }
0x42: {  	_ =	shalt  }
0x43: {  	_ =	shalt  }
0x44: {  	_ =	shalt  }
0x45: {  	_ =	shalt  }
0x46: {  	_ =	shalt  }
0x47: {  	_ =	shalt  }
0x48: {  	_ =	shalt  }
0x49: {  	_ =	shalt  }
0x4a: {  	_ =	shalt  }
0x4b: {  	_ =	shalt  }
0x4c: {  	_ =	shalt  }
0x4d: {  	_ =	shalt  }
0x4e: {  	_ =	shalt  }
0x4f: {  	_ =	shalt  }
0x50: {  	_ =	shalt  }
0x51: {  	_ =	shalt  }
0x52: {  	_ =	shalt  }
0x53: {  	_ =	shalt  }
0x54: {  	_ =	shalt  }
0x55: {  	_ =	shalt  }
0x56: {  	_ =	shalt  }
0x57: {  	_ =	shalt  }
0x58: {  	_ =	shalt  }
0x59: {  	_ =	shalt  }
0x5a: {  	_ =	shalt  }
0x5b: {  	_ =	shalt  }
0x5c: {  	_ =	shalt  }
0x5d: {  	_ =	shalt  }
0x5e: {  	_ =	shalt  }
0x5f: {  	_ =	shalt  }
0x60: {  	_ =	shalt  }
0x61: {  	_ =	shalt  }
0x62: {  	_ =	shalt  }
0x63: {  	_ =	shalt  }
0x64: {  	_ =	shalt  }
0x65: {  	_ =	shalt  }
0x66: {  	_ =	shalt  }
0x67: {  	_ =	shalt  }
0x68: {  	_ =	shalt  }
0x69: {  	_ =	shalt  }
0x6a: {  	_ =	shalt  }
0x6b: {  	_ =	shalt  }
0x6c: {  	_ =	shalt  }
0x6d: {  	_ =	shalt  }
0x6e: {  	_ =	shalt  }
0x6f: {  	_ =	shalt  }
0x70: {  	_ =	shalt  }
0x71: {  	_ =	shalt  }
0x72: {  	_ =	shalt  }
0x73: {  	_ =	shalt  }
0x74: {  	_ =	shalt  }
0x75: {  	_ =	shalt  }
0x76: {  	_ =	shalt  }
0x77: {  	_ =	shalt  }
0x78: {  	_ =	shalt  }
0x79: {  	_ =	shalt  }
0x7a: {  	_ =	shalt  }
0x7b: {  	_ =	shalt  }
0x7c: {  	_ =	shalt  }
0x7d: {  	_ =	shalt  }
0x7e: {  	_ =	shalt  }
0x7f: {  	_ =	shalt  }
0x80: {  	_ =	shalt  }
0x81: {  	_ =	shalt  }
0x82: {  	_ =	shalt  }
0x83: {  	_ =	shalt  }
0x84: {  	_ =	shalt  }
0x85: {  	_ =	shalt  }
0x86: {  	_ =	shalt  }
0x87: {  	_ =	shalt  }
.Lfunc_end0:
.L_simem_size_0:
called_computation_lowered:
.L_overlay_start_0:
0x88: {  	s2 =	sld [smem:$0x3FD9]  }
0x89: {  	s3 =	sld [smem:$0x3FFE];
	_ =	sdelay $0x1  }
0x8a: {  	s1 =	srdreg.scid  }
0x8b: {  	s0 =	sand.u32 $0x1, s1  }
0x8c: {  	s16 =	sshll.u32 s0, $0xA;
	s2 =	sadd.s32 s3, s2  }
0x8d: {  	s2 =	sadd.s32 s2, s16  }
0x8e: {  	[smem:$0x3FBC] =	sst s2  }
0x8f: {  	_ = 	snop  }
0x90: {  	(tm) =	ssettm $0x1  }
0x91: {  	s17 =	sld [smem:$0x3FFB];
	_ =	sdelay $0x3  }
0x92: {  	_ =	strace s17  }
0x93: {  	s2 =	sld [smem:$0x3FFC];
	_ =	sdelay $0x3  }
0x94: {  	_ =	strace s2  }
0x95: {  	s2 =	sld [smem:$0x3FFD];
	_ =	sdelay $0x3  }
0x96: {  	_ =	strace s2  }
0x97: {  	_ =	strace $0x8FFFFFFF  }
0x98: {  	s18 =	sld [smem:$0x3FDB];
	_ =	sdelay $0x1  }
0x99: {  	s19 =	simm.s32 $_scs_section_size  }
0x9a: {  	s4 =	simm.s32 $_size__tile_overlayer_lowered;
	s5 =	simm.s32 $_tile_overlayer_lowered  }
0x9b: {  	s22 =	simm.s32 $0x1BFF;
	s21 =	sshll.u32 s5, $0x1;
	s2 =	sadd.s32 s19, s18  }
0x9c: {  	s6 =	simm.s32 $0x0;
	s20 =	sshll.u32 s4, $0x1;
	s4 =	sadd.s32 s21, s2  }
0x9d: {  	[timem:s6], [sflag:s22] =	dma.local [hbm:s4], s20  }
0x9e: {  	_ =	swait.ge [sflag:s22], s20  }
0x9f: {  	s3 =	ssub.s32 $0x0, s20;
	[sflag:s22] =	ssyncset.done $0x0  }
0xa0: {  	[sflag:s22] =	ssyncadd.s32 s3;
	_ =	sdelay $0x1  }
0xa1: {  	s23 =	simm.s32 $0x1B8B  }
0xa2: {  	_ =	swait.ge [sflag:s23], $0x1  }
0xa3: {  	[sflag:s23] =	ssyncset.done $0x0  }
0xa4: {  	s25 =	simm.s32 $0x1B8E;
	s24 =	sld [smem:$0x3FFE];
	[sflag:s23] =	ssyncadd.s32 $0xFFFFFFFF  }
0xa5: {  	s26 =	simm.s32 $execute0_lowered;
	[smem:$0x3FD2] =	sst s25  }
0xa6: {  	s4 =	sshll.u32 s26, $0x1;
	_ =	strace $0x80000049;
	[dreg:$0x1] =	wrdreg $0xFFFFFFFF  }
0xa7: {  	s28 =	simm.s32 $_size_execute0_lowered;
	s2 =	sadd.s32 s2, s4;
	[dreg:$0x0] =	wrdreg $0x0  }
0xa8: {  	s4 =	sshll.u32 s28, $0x1;
	[dreg:$0x2] =	wrdreg s2  }
0xa9: {  	[dreg:$0x3] =	wrdreg s4  }
0xaa: {  	[dreg:$0x4] =	wrdreg $0xC0  }
0xab: {  	_ =	task [dreg:s6], $0x5FFFF  }
0xac: {  	[dreg:$0x1] =	wrdreg $0xFFFFFFFF  }
0xad: {  	[dreg:$0x0] =	wrdreg $0x60  }
0xae: {  	[dreg:$0x2] =	wrdreg s24  }
0xaf: {  	[dreg:$0x3] =	wrdreg $0x9  }
0xb0: {  	_ =	task.clear_ibuf [dreg:s6], $0x4FFFF;
	_ =	strace $0x90000049  }
0xb1: {  	s29 =	simm.s32 $0x9;
	_ =	strace $0x8000004B  }
0xb2: {  	_ =	swait.ge [sflag:s29], $0x1  }
0xb3: {  	[sflag:s29] =	ssyncadd.s32 $0xFFFFFFFF  }
0xb4: {  	_ =	strace $0x9000004B  }
0xb5: {  	_ =	sfence  }
0xb6: {  	s30 =	sld [smem:$0x0];
	_ =	sdelay $0x2  }
0xb7: {  	s31 =	sshll.u32 s1, $0xD;
	s1 =	sshrl.u32 s1, $0x2  }
0xb8: {  	s3 =	sand.u32 $0x4000, s31;
	s1 =	sadd.s32 s1, s30  }
0xb9: {  	s0 =	sor.u32 s3, s0;
	s1 =	sshll.u32 s1, $0x11  }
0xba: {  	s0 =	sor.u32 s1, s0  }
0xbb: {  	s0 =	sadd.s32 $0x8F2B, s0  }
0xbc: {  	[sflag:s0] =	ssyncadd.remote.s32 $0x1  }
0xbd: {  	_ =	sfence.sel $0xFFFF  }
0xbe: {  	[dreg:$0x0] =	wrdreg $0xFFFFFFFF;
	(pc) =	sbr.abs _section_cstart, $3  }
0xbf: {  	[dreg:$0x1] =	wrdreg $0xFFFFFFFF  }
0xc0: {  	_ =	task.clear_ibuf [dreg:s6], $0x2FFFF;
	_ =	strace $0x9FFFFFFF  }
0xc1: {  	(tm) =	ssettm $0x7FFFFFFF  }
tec
execute0_lowered:
.L_overlay_start_1:
0x0: {  	(tag) =	ssettag $0x1  }
0x1: {  	s8 =	rddreg [dreg:$0x0]  }
0x2: {  	s0 =	rddreg [dreg:$0x1];
	_ =	strace $0x8000004A;
	s1 =	stileid.u32  }
0x3: {  	s3 =	srdreg.scid;
	s4 =	simm.s32 $0x1;
	s7 =	simm.s32 $0x1  }
0x4: {  	s9 =	simm.s32 $0x1;
	s10 =	simm.s32 $0x3;
	s13 =	simm.s32 $0x0  }
0x5: {  	s12 =	simm.s32 $0x0;
	s5 =	sand.u32 $0x1, s3;
	s6 =	sshll.u32 s1, $0x1  }
0x6: {  	s2 =	sadd.s32 $0x1E00, s8;
	s3 =	sadd.s32 $0x6E00, s8;
	s5 =	sor.u32 s6, s5  }
.Ltmp0:
0x7: {  	[sflag:s4] =	ssyncpa.u1 $0x0;
	p0 =	slt.u32 s5, $0x9;
	(pc) =	sbr.rel .LBB2_1-.Ltmp0, $4  }
0x8: {  	s6 =	simm.s32 $0x2;
	s7 =	simm.s32 @!p0 $0x0;
	p0 =	sne.s32 s5, $0x8  }
0x9: {  	[sflag:s6] =	ssyncpa.u1 $0x0;
	s5 =	smul.u32 $0xFA0, s5;
	s9 =	simm.s32 @!p0 $0x0  }
0xa: {  	s8 =	sadd.s32 $0x10E00, s8;
	[sflag:s10] =	ssyncpa.u1 $0x0;
	s7 =	sadd.s32 s9, s7  }
0xb: {  	vm0 =	vmmov $0xffff;
	s10 =	simm.s32 $0x0;
	s11 =	smov.u32 s5;
	s9 =	sadd.s32 $0x1, s7  }
.LBB2_4:
0xc: {  	v2 =	vnsel vm1, $0x0, v2  }
0xd: {  	vm1 =	vgt.s32 v0, $0x0;
	v2 =	vmin.u32 v2, $0x270FF  }
0xe: {  	v0 =	vnsel vm1, $0x0, v0  }
0xf: {  	v0 =	vmin.u32 v0, $0x270FF  }
0x10: {  	[tilespmem:s18], [sflag:$0x1] =	stream.indirect_vreg.gather [hbm4b:s2+s10], $0x1, v1, vm0, $0x4038;
	[tilespmem:$0x3E80] =	vst v63  }
0x11: {  	(ifvalue) =	ssetifvalue $0x7FFFFFFF  }
0x12: {  	[tilespmem:s15], [sflag:$0x1] =	stream.indirect_vreg.gather [hbm4b:s2+s10], $0x1, v2, vm0, $0x4038;
	[tilespmem:$0x3E80] =	vst v63  }
0x13: {  	s29 =	sadd.s32 $0x10, s15;
	(ifvalue) =	ssetifvalue $0x7FFFFFFF  }
0x14: {  	[tilespmem:s29], [sflag:$0x1] =	stream.indirect_vreg.gather [hbm4b:s2+s10], $0x1, v0, vm0, $0x4038;
	[tilespmem:$0x3E80] =	vst v63  }
0x15: {  	_ =	swait.ge [sflag:s4], $0xFA0  }
0x16: {  	s30 =	sshrl.u32 s13, $0x3;
	[sflag:s4] =	ssyncset.done $0x0  }
0x17: {  	s31 =	sand.u32 $0x7, s13;
	s15 =	sadd.s32 s8, s30;
	[sflag:s4] =	ssyncadd.s32 $0xFFFFF060  }
0x18: {  	[hbm4b:s15+s31] =	stream.linear.scatter [tilespmem:s14], [sflag:$0x3], $0xFA0, $0x38;
	[tilespmem:$0x3E80] =	vst v63  }
.LBB2_5:
0x19: {  	s15 =	sadd.s32 $0x1F400, s11  }
0x1a: {  	p1 =	sgt.s32 s15, $0x270FF  }
0x1b: {  	s15 =	smov.u32 @p1 s5;
	p1 =	sne.s32 s12, s9  }
.Ltmp1:
0x1c: {  	p0 =	slt.u32 s12, $0x2;
	(pc) =	sbr.rel @!p1 .LBB2_6-.Ltmp1, $4  }
0x1d: {  	s14 =	simm.s32 @!p0 $0x3  }
0x1e: {  	_ =	swait.ge @!p0 [sflag:s14], $0xFA0  }
0x1f: {  	s16 =	sadd.s32 $0x1, s12;
	s13 =	smov.u32 s11;
	[sflag:s14] =	ssyncset.done @!p0 $0x0  }
0x20: {  	s12 =	smov.u32 s16;
	s11 =	smov.u32 s15;
	[sflag:s14] =	ssyncadd.s32 @!p0 $0xFFFFF060  }
.LBB2_1:
0x21: {  	p0 =	sge.u32 s12, s7  }
0x22: {  	s14 =	sxor.u32 @!p0 $0x1, s12  }
0x23: {  	s14 =	smul.u32 @!p0 $0x3E80, s14  }
0x24: {  	s31 =	sadd.s32 $0xFFFFFFFF, s12;
	s15 =	sshrl.u32 @!p0 s11, $0x3  }
0x25: {  	s16 =	sand.u32 @!p0 $0x7, s11;
	s15 =	sadd.s32 @!p0 s3, s15;
	s14 =	sshra.s32 @!p0 s14, $0x2  }
0x26: {  	[tilespmem:s14], [sflag:$0x2] =	stream.linear.gather @!p0 [hbm4b:s15+s16], $0xFA0, $0x38;
	[tilespmem:$0x3E80] =	vst v63  }
0x27: {  	p0 =	sge.u32 s31, s7  }
.Ltmp2:
0x28: {  	_ = 	snop;
	(pc) =	sbr.rel @p0 .LBB2_5-.Ltmp2, $1  }
0x29: {  	_ =	sdelay $0x3  }
0x2a: {  	s14 =	sand.u32 $0x1, s12  }
0x2b: {  	_ =	swait.ge [sflag:s6], $0xFA0;
	p0 =	seq.s32 s14, $0x1;
	s14 =	simm.s32 $0xFA0  }
0x2c: {  	[sflag:s6] =	ssyncset.done $0x0;
	s14 =	simm.s32 @!p0 $0x0  }
0x2d: {  	[sflag:s6] =	ssyncadd.s32 $0xFFFFF060;
	(ifvalue) =	ssetifvalue $0x7FFFFFFF;
	v0 =	vld.msk [tilespmem:s14+$0x0 ss:$0x1], $0xffff;
	_ =	sdelay $0x4  }
0x2e: {  	s15 =	sadd.s32 $0x10, s14;
	vm1 =	vgt.s32 v0, $0x0  }
0x2f: {  	v2 =	vld.msk [tilespmem:s15+$0x0 ss:$0x1], $0xffff;
	v1 =	vnsel vm1, $0x0, v0  }
0x30: {  	v1 =	vmin.u32 v1, $0x270FF;
	_ =	sdelay $0x2  }
0x31: {  	s17 =	simm.s32 $0x20;
	s14 =	sadd.s32 $0x1F40, s14;
	s16 =	sadd.s32 $0x10, s15  }
0x32: {  	s15 =	sadd.s32 $0x10, s14;
	s18 =	smov.u32 s14;
	v0 =	vld.msk [tilespmem:s16+$0x0 ss:$0x1], $0xffff;
	vm1 =	vgt.s32 v2, $0x0;
	(ifvalue) =	ssetifvalue $0x7FFFFFFF  }
.LBB2_3:
0x33: {  	[tilespmem:s18], [sflag:$0x1] =	stream.indirect_vreg.gather [hbm4b:s2+s10], $0x1, v1, vm0, $0x4038;
	[tilespmem:$0x3E80] =	vst v63  }
0x34: {  	s17 =	sadd.s32 $0x10, s17  }
0x35: {  	v2 =	vnsel vm1, $0x0, v2;
	p0 =	slt.u32 s17, $0xF90  }
.Ltmp3:
0x36: {  	s18 =	smov.u32 s15;
	v1 =	vmin.u32 v2, $0x270FF;
	(pc) =	sbr.rel @p0 .LBB2_3-.Ltmp3, $3  }
0x37: {  	_ =	sdelay $0x1  }
0x38: {  	s16 =	sadd.s32 $0x10, s16  }
0x39: {  	vm1 =	vgt.s32 v0, $0x0;
	s15 =	sadd.s32 $0x10, s15;
	v2 =	vmov v0;
	(ifvalue) =	ssetifvalue $0x7FFFFFFF;
	v0 =	vld.msk [tilespmem:s16+$0x0 ss:$0x1], $0xffff  }
.Ltmp4:
0x3a: {  	_ = 	snop;
	(pc) =	sbr.rel .LBB2_4-.Ltmp4, $1  }
0x3b: {  	_ =	sdelay $0x3  }
.LBB2_6:
0x3c: {  	_ =	sfence.sel $0x180000  }
0x3d: {  	s2 =	simm.s32 $0x2;
	[bflag:$0x0] =	sbarrier.arrive $0xFFFF  }
0x3e: {  	s30 =	simm.s32 $0x3;
	[sflag:s2] =	ssyncpa.u1 $0x1  }
0x3f: {  	s31 =	simm.s32 $0x1;
	[sflag:s30] =	ssyncpa.u1 $0x1  }
0x40: {  	[sflag:s31] =	ssyncpa.u1 $0x1  }
0x41: {  	p0 =	sne.s32 s1, $0x0;
	_ =	strace $0x9000004A  }
0x42: {  	s0 =	sadd.s32 @!p0 $0x100000, s0;
	[bflag:$0x2] =	sbarrier.arrive $0xFFFF  }
0x43: {  	[sflag:s0] =	ssyncadd.tile.s32 @!p0 $0x1;
	_ =	shalt  }
.Lfunc_end2:
_tile_overlayer_lowered:
.L_overlay_start_2:
0x44: {  	(tag) =	ssettag $0x2  }
0x45: {  	s0 =	rddreg [dreg:$0x0];
	s2 =	stileid.u32  }
0x46: {  	s1 =	rddreg [dreg:$0x1];
	p0 =	sne.s32 s2, $0x0  }
0x47: {  	s3 =	rddreg [dreg:$0x2];
	[bflag:$0x3] =	sbarrier.arrive $0xFFFF;
	s2 =	simm.s32 @!p0 $0x1C01  }
0x48: {  	[timem:s3], [sflag:s2] =	dma.local @!p0 [hbm:s0], s1  }
0x49: {  	s0 =	simm.s32 @!p0 $0x1  }
0x4a: {  	_ =	swait.ge @!p0 [sflag:s0], s1  }
0x4b: {  	s1 =	ssub.s32 @!p0 $0x0, s1;
	[sflag:s0] =	ssyncset.done @!p0 $0x0  }
0x4c: {  	[sflag:s0] =	ssyncadd.s32 @!p0 s1  }
0x4d: {  	[bflag:$0x3] =	sbarrier.arrive $0xFFFF  }
0x4e: {  	_ =	shalt  }

// kernel: kernel.13.cloned.1.call-start
scs
__scs_entry_jumppad:
0x0: {  	(pc) =	sbr.rel $0x88, $3  }
0x1: {  	(tag) =	ssettag $0x0;
	lr =	simm.s32 $0x1  }
0x2: {  	[smem:$0x3F95] =	sst lr;
	_ =	strace $0xD0000000  }
0x3: {  	_ = 	snop  }
0x4: {  	_ = 	snop  }
0x5: {  	_ = 	snop  }
0x6: {  	_ = 	snop  }
0x7: {  	_ = 	snop  }
__scs_overlays_trampoline_lowered:
0x8: {  	[smem:$0x3FA4] =	sst s0  }
0x9: {  	[smem:$0x3FA5] =	sst s1  }
0xa: {  	[smem:$0x3FA6] =	sst s2  }
0xb: {  	[smem:$0x3FA7] =	sst s3  }
0xc: {  	[smem:$0x3FA8] =	sst s4  }
0xd: {  	[smem:$0x3FA9] =	sst s5  }
0xe: {  	[smem:$0x3FAA] =	sst s6  }
0xf: {  	[smem:$0x3FAB] =	sst s7  }
0x10: {  	[smem:$0x3FAC] =	sst s8  }
0x11: {  	[smem:$0x3FAD] =	sst s9;
	s0 =	simm.s32 @!p0 $0x0  }
0x12: {  	s1 =	sld [smem:$0x3F93];
	s0 =	simm.s32 @p0 $0x1  }
0x13: {  	[smem:$0x3FAE] =	sst s0;
	s0 =	simm.s32 @!p1 $0x0  }
0x14: {  	s2 =	sld [smem:$0x3F92];
	s0 =	simm.s32 @p1 $0x1  }
0x15: {  	[smem:$0x3FAF] =	sst s0;
	s0 =	simm.s32 @!p2 $0x0  }
0x16: {  	s3 =	sld [smem:$0x3FDB];
	s0 =	simm.s32 @p2 $0x1  }
0x17: {  	s4 =	simm.s32 $0x1BF5;
	[smem:$0x3FB1] =	sst s0  }
0x18: {  	s0 =	sld [smem:$0x3F94];
	_ =	swait.ge [sflag:s4], $0x0  }
0x19: {  	s7 =	sld [smem:$0x3F95]  }
0x1a: {  	s8 =	sadd.s32 $0xFFFFE003, lr  }
0x1b: {  	s9 =	sadd.s32 $0xFFFFFEF7, lr;
	s5 =	simm.s32 $0xFFFFFFFF;
	p2 =	slt.u32 s8, $0xFFFFF086  }
0x1c: {  	p1 =	slt.u32 s9, $0xF7A;
	s5 =	simm.s32 @!p2 $0x0  }
0x1d: {  	s5 =	simm.s32 @p1 $0x1;
	p0 =	seq.s32 s7, s2  }
0x1e: {  	s7 =	smul.u32 @!p0 $0xF7A, s2;
	p2 =	seq.s32 @!p0 s5, $0x0  }
0x1f: {  	s9 =	smul.u32 $0xF7A, s1;
	s8 =	simm.s32 @!p0 $0x1BF5;
	p2 =	por !p2, p0  }
0x20: {  	[sflag:s8] =	ssyncset.s32 @!p0 $0xFFFFF086;
	s6 =	sadd.s32 @!p0 s3, s7;
	s7 =	simm.s32 @!p0 $0x108  }
0x21: {  	s3 =	sadd.s32 s3, s9;
	s6 =	sadd.s32 @!p0 $0x88, s6;
	s7 =	simm.s32 @p2 $0x1082  }
0x22: {  	[simem:s7], [sflag:s8] =	dma.local @!p0 [hbm:s6], $0xF7A  }
0x23: {  	s9 =	sor.u32 $0xD0000000, s2;
	s6 =	simm.s32 $0x108;
	_ =	swait.ge @!p0 [sflag:s8], $0x0  }
0x24: {  	s3 =	sadd.s32 $0x88, s3;
	s6 =	simm.s32 @!p1 $0x1082;
	[sflag:s4] =	ssyncset.s32 $0xFFFFF086  }
0x25: {  	[simem:s6], [sflag:s4] =	dma.local [hbm:s3], $0xF7A  }
0x26: {  	[smem:$0x3F95] =	sst s1;
	(tag) =	ssettag s2;
	_ =	strace s9  }
0x27: {  	s1 =	sld [smem:$0x3FA5]  }
0x28: {  	s2 =	sld [smem:$0x3FA6]  }
0x29: {  	s4 =	sld [smem:$0x3FA8]  }
0x2a: {  	p0 =	seq.s32 s5, $0x0;
	s5 =	sld [smem:$0x3FA9]  }
0x2b: {  	s6 =	sld [smem:$0x3FAA]  }
0x2c: {  	s7 =	sld [smem:$0x3FAB]  }
0x2d: {  	s3 =	simm.s32 $0x108;
	s8 =	sld [smem:$0x3FAC]  }
0x2e: {  	s3 =	simm.s32 @!p0 $0x1082;
	s9 =	sld [smem:$0x3FAD]  }
0x2f: {  	lr =	sadd.s32 s0, s3;
	s0 =	sld [smem:$0x3FA4]  }
0x30: {  	s3 =	sld [smem:$0x3FA7]  }
0x31: {  	[smem:$0x3FB0] =	sst s10  }
0x32: {  	s10 =	sld [smem:$0x3FAE];
	_ =	sdelay $0x3  }
0x33: {  	p0 =	seq.s32 s10, $0x1;
	s10 =	sld [smem:$0x3FB0];
	_ =	sdelay $0x3  }
0x34: {  	[smem:$0x3FB0] =	sst s10  }
0x35: {  	s10 =	sld [smem:$0x3FAF];
	_ =	sdelay $0x3  }
0x36: {  	p1 =	seq.s32 s10, $0x1;
	s10 =	sld [smem:$0x3FB0];
	_ =	sdelay $0x3  }
0x37: {  	[smem:$0x3FB0] =	sst s10  }
0x38: {  	s10 =	sld [smem:$0x3FB1]  }
0x39: {  	_ = 	snop;
	(pc) =	sbr.ind lr, $3  }
0x3a: {  	_ = 	snop  }
0x3b: {  	_ = 	snop  }
0x3c: {  	p2 =	seq.s32 s10, $0x1;
	s10 =	sld [smem:$0x3FB0]  }
0x3d: {  	_ =	shalt  }
0x3e: {  	_ =	shalt  }
0x3f: {  	_ =	shalt  }
0x40: {  	_ =	shalt  }
0x41: {  	_ =	shalt  }
0x42: {  	_ =	shalt  }
0x43: {  	_ =	shalt  }
0x44: {  	_ =	shalt  }
0x45: {  	_ =	shalt  }
0x46: {  	_ =	shalt  }
0x47: {  	_ =	shalt  }
0x48: {  	_ =	shalt  }
0x49: {  	_ =	shalt  }
0x4a: {  	_ =	shalt  }
0x4b: {  	_ =	shalt  }
0x4c: {  	_ =	shalt  }
0x4d: {  	_ =	shalt  }
0x4e: {  	_ =	shalt  }
0x4f: {  	_ =	shalt  }
0x50: {  	_ =	shalt  }
0x51: {  	_ =	shalt  }
0x52: {  	_ =	shalt  }
0x53: {  	_ =	shalt  }
0x54: {  	_ =	shalt  }
0x55: {  	_ =	shalt  }
0x56: {  	_ =	shalt  }
0x57: {  	_ =	shalt  }
0x58: {  	_ =	shalt  }
0x59: {  	_ =	shalt  }
0x5a: {  	_ =	shalt  }
0x5b: {  	_ =	shalt  }
0x5c: {  	_ =	shalt  }
0x5d: {  	_ =	shalt  }
0x5e: {  	_ =	shalt  }
0x5f: {  	_ =	shalt  }
0x60: {  	_ =	shalt  }
0x61: {  	_ =	shalt  }
0x62: {  	_ =	shalt  }
0x63: {  	_ =	shalt  }
0x64: {  	_ =	shalt  }
0x65: {  	_ =	shalt  }
0x66: {  	_ =	shalt  }
0x67: {  	_ =	shalt  }
0x68: {  	_ =	shalt  }
0x69: {  	_ =	shalt  }
0x6a: {  	_ =	shalt  }
0x6b: {  	_ =	shalt  }
0x6c: {  	_ =	shalt  }
0x6d: {  	_ =	shalt  }
0x6e: {  	_ =	shalt  }
0x6f: {  	_ =	shalt  }
0x70: {  	_ =	shalt  }
0x71: {  	_ =	shalt  }
0x72: {  	_ =	shalt  }
0x73: {  	_ =	shalt  }
0x74: {  	_ =	shalt  }
0x75: {  	_ =	shalt  }
0x76: {  	_ =	shalt  }
0x77: {  	_ =	shalt  }
0x78: {  	_ =	shalt  }
0x79: {  	_ =	shalt  }
0x7a: {  	_ =	shalt  }
0x7b: {  	_ =	shalt  }
0x7c: {  	_ =	shalt  }
0x7d: {  	_ =	shalt  }
0x7e: {  	_ =	shalt  }
0x7f: {  	_ =	shalt  }
0x80: {  	_ =	shalt  }
0x81: {  	_ =	shalt  }
0x82: {  	_ =	shalt  }
0x83: {  	_ =	shalt  }
0x84: {  	_ =	shalt  }
0x85: {  	_ =	shalt  }
0x86: {  	_ =	shalt  }
0x87: {  	_ =	shalt  }
.Lfunc_end0:
.L_simem_size_0:
called_computation.4_lowered:
.L_overlay_start_0:
0x88: {  	s2 =	sld [smem:$0x3FD9]  }
0x89: {  	s3 =	sld [smem:$0x3FFE];
	_ =	sdelay $0x1  }
0x8a: {  	s1 =	srdreg.scid  }
0x8b: {  	s0 =	sand.u32 $0x1, s1  }
0x8c: {  	s14 =	sshll.u32 s0, $0xA;
	s2 =	sadd.s32 s3, s2  }
0x8d: {  	s2 =	sadd.s32 s2, s14  }
0x8e: {  	[smem:$0x3FBC] =	sst s2  }
0x8f: {  	_ = 	snop  }
0x90: {  	s2 =	sld [smem:$0x3FD0];
	_ =	sdelay $0x2  }
0x91: {  	s15 =	simm.s32 $0xA;
	s4 =	simm.s32 $0x10  }
0x92: {  	[smem:s4], [sflag:s15] =	dma.local [hbm:s2], $0x1  }
0x93: {  	_ =	swait.eq [sflag:s15], $0x1  }
0x94: {  	[sflag:s15] =	ssyncset.done $0x0  }
0x95: {  	[sflag:s15] =	ssyncadd.s32 $0xFFFFFFFF  }
0x96: {  	s16 =	sld [smem:$0x10];
	(tm) =	ssettm $0x1  }
0x97: {  	s17 =	sld [smem:$0x3FFB];
	_ =	sdelay $0x3  }
0x98: {  	_ =	strace s17  }
0x99: {  	s3 =	sld [smem:$0x3FFC];
	_ =	sdelay $0x3  }
0x9a: {  	_ =	strace s3  }
0x9b: {  	s3 =	sld [smem:$0x3FFD];
	_ =	sdelay $0x3  }
0x9c: {  	_ =	strace s3  }
0x9d: {  	_ =	strace $0x8FFFFFFF  }
0x9e: {  	s18 =	sld [smem:$0x3FDB];
	_ =	sdelay $0x1  }
0x9f: {  	s19 =	simm.s32 $_scs_section_size  }
0xa0: {  	s5 =	simm.s32 $_size__tile_overlayer_lowered;
	s6 =	simm.s32 $_tile_overlayer_lowered  }
0xa1: {  	s22 =	simm.s32 $0x1BFF;
	s21 =	sshll.u32 s6, $0x1;
	s3 =	sadd.s32 s19, s18  }
0xa2: {  	s7 =	simm.s32 $0x0;
	s20 =	sshll.u32 s5, $0x1;
	s5 =	sadd.s32 s21, s3  }
0xa3: {  	[timem:s7], [sflag:s22] =	dma.local [hbm:s5], s20  }
0xa4: {  	_ =	swait.ge [sflag:s22], s20  }
0xa5: {  	s4 =	ssub.s32 $0x0, s20;
	[sflag:s22] =	ssyncset.done $0x0  }
0xa6: {  	[sflag:s22] =	ssyncadd.s32 s4;
	_ =	sdelay $0x1  }
0xa7: {  	s23 =	simm.s32 $0x1B8B  }
0xa8: {  	_ =	swait.ge [sflag:s23], $0x1  }
0xa9: {  	[sflag:s23] =	ssyncset.done $0x0  }
0xaa: {  	s25 =	simm.s32 $0x1B8E;
	s24 =	sld [smem:$0x3FFE];
	[sflag:s23] =	ssyncadd.s32 $0xFFFFFFFF  }
0xab: {  	s26 =	simm.s32 $execute0_lowered;
	[smem:$0x3FD2] =	sst s25  }
0xac: {  	s5 =	sshll.u32 s26, $0x1;
	_ =	strace $0x80000052;
	[dreg:$0x1] =	wrdreg $0xFFFFFFFF  }
0xad: {  	s28 =	simm.s32 $_size_execute0_lowered;
	s3 =	sadd.s32 s3, s5;
	[dreg:$0x0] =	wrdreg $0x0  }
0xae: {  	s5 =	sshll.u32 s28, $0x1;
	[dreg:$0x2] =	wrdreg s3  }
0xaf: {  	[dreg:$0x3] =	wrdreg s5  }
0xb0: {  	[dreg:$0x4] =	wrdreg $0xC0  }
0xb1: {  	_ =	task [dreg:s7], $0x5FFFF  }
0xb2: {  	[dreg:$0x1] =	wrdreg $0xFFFFFFFF  }
0xb3: {  	[dreg:$0x0] =	wrdreg $0x60  }
0xb4: {  	[dreg:$0x2] =	wrdreg s24  }
0xb5: {  	[dreg:$0x3] =	wrdreg s16  }
0xb6: {  	[dreg:$0x4] =	wrdreg $0x9000  }
0xb7: {  	[dreg:$0x5] =	wrdreg $0x31000  }
0xb8: {  	[dreg:$0x6] =	wrdreg $0x9  }
0xb9: {  	_ =	task.clear_ibuf [dreg:s7], $0x7FFFF;
	_ =	strace $0x90000052  }
0xba: {  	s29 =	simm.s32 $0x9;
	_ =	strace $0x80000054  }
0xbb: {  	_ =	swait.ge [sflag:s29], $0x1  }
0xbc: {  	[sflag:s29] =	ssyncadd.s32 $0xFFFFFFFF  }
0xbd: {  	_ =	strace $0x90000054  }
0xbe: {  	_ =	sfence  }
0xbf: {  	s30 =	sld [smem:$0x0];
	_ =	sdelay $0x2  }
0xc0: {  	s31 =	sshll.u32 s1, $0xD;
	s1 =	sshrl.u32 s1, $0x2  }
0xc1: {  	s3 =	sand.u32 $0x4000, s31;
	s1 =	sadd.s32 s1, s30  }
0xc2: {  	s0 =	sor.u32 s3, s0;
	s1 =	sshll.u32 s1, $0x11  }
0xc3: {  	s0 =	sor.u32 s1, s0  }
0xc4: {  	s0 =	sadd.s32 $0x8F2B, s0  }
0xc5: {  	[sflag:s0] =	ssyncadd.remote.s32 $0x1  }
0xc6: {  	_ =	sfence.sel $0xFFFF  }
0xc7: {  	[dreg:$0x0] =	wrdreg $0xFFFFFFFF;
	(pc) =	sbr.abs _section_cstart, $3  }
0xc8: {  	[dreg:$0x1] =	wrdreg $0xFFFFFFFF  }
0xc9: {  	_ =	task.clear_ibuf [dreg:s7], $0x2FFFF;
	_ =	strace $0x9FFFFFFF  }
0xca: {  	(tm) =	ssettm $0x7FFFFFFF  }
0xcb: {  	_ =	shalt  }
tec
execute0_lowered:
.L_overlay_start_1:
0x0: {  	(tag) =	ssettag $0x1  }
0x1: {  	s6 =	rddreg [dreg:$0x0]  }
0x2: {  	s7 =	rddreg [dreg:$0x1]  }
0x3: {  	s1 =	srdreg.scid;
	s2 =	rddreg [dreg:$0x2]  }
0x4: {  	s0 =	stileid.u32;
	s3 =	rddreg [dreg:$0x3]  }
0x5: {  	s4 =	simm.s32 $0x0;
	s12 =	simm.s32 $0x100;
	s13 =	simm.s32 $0x1  }
0x6: {  	s17 =	simm.s32 $0x80;
	s18 =	simm.s32 $0x0;
	s8 =	smul.u32 $0x3000, s0  }
0x7: {  	s5 =	sand.u32 $0x1, s1;
	s10 =	smul.u32 $0x2800, s0;
	s1 =	rddreg [dreg:$0x4]  }
0x8: {  	[smem:$0x7FF] =	sst s4;
	s14 =	sshll.u32 s0, $0x6;
	s9 =	smul.u32 $0x1800, s5  }
0x9: {  	s11 =	smul.u32 $0x50000, s5;
	_ =	strace $0x80000053;
	s29 =	ssub.s32 $0x2, s5  }
0xa: {  	s5 =	sadd.s32 $0xD600, s6;
	s14 =	sor.u32 $0x1C01, s14;
	s30 =	sshrl.u32 s29, $0x1  }
0xb: {  	s15 =	sadd.s32 s10, s2;
	s31 =	sshrl.u32 s10, $0x3;
	s16 =	sadd.s32 s10, s3  }
0xc: {  	s8 =	sadd.s32 s9, s8;
	s25 =	sadd.s32 s10, s11;
	s9 =	ssub.s32 s29, s30  }
0xd: {  	s15 =	sshrl.u32 s15, $0x3;
	s8 =	sshrl.u32 s8, $0x3;
	s28 =	sshrl.u32 s25, $0x3  }
0xe: {  	s16 =	sshrl.u32 s16, $0x3;
	s26 =	sadd.s32 s8, s6;
	s8 =	sadd.s32 s28, s6  }
0xf: {  	s9 =	smax.u32 s9, $0x1;
	s6 =	sadd.s32 s7, s31;
	s7 =	sadd.s32 $0xD800, s8  }
0x10: {  	s8 =	sadd.s32 $0x12800, s8;
	s10 =	sadd.s32 $0x1600, s26;
	s11 =	sadd.s32 $0x7600, s26  }
.LBB2_1:
0x11: {  	[tilespmem:s12], [sflag:$0x1] =	stream.linear.gather [hbm4b:s5+s4], $0x800, $0x38;
	[tilespmem:$0x5900] =	vst v63  }
0x12: {  	_ =	swait.ge [sflag:s13], $0x800  }
0x13: {  	[sflag:s13] =	ssyncset.done $0x0  }
0x14: {  	[sflag:s13] =	ssyncadd.s32 $0xFFFFF800  }
0x15: {  	[spmem:s15], [sflag:s14] =	dma.local [hbm:s6], $0x500  }
0x16: {  	_ =	swait.ge [sflag:s13], $0x500  }
0x17: {  	[sflag:s13] =	ssyncset.done $0x0  }
0x18: {  	[sflag:s13] =	ssyncadd.s32 $0xFFFFFB00  }
0x19: {  	[spmem:s16], [sflag:s14] =	dma.local [hbm:s6], $0x500  }
0x1a: {  	_ =	swait.ge [sflag:s13], $0x500  }
0x1b: {  	[sflag:s13] =	ssyncset.done $0x0  }
0x1c: {  	[sflag:s13] =	ssyncadd.s32 $0xFFFFFB00  }
0x1d: {  	s19 =	sadd.s32 $0x0, s11;
	[bflag:$0x0] =	sbarrier.arrive $0xFFFF  }
0x1e: {  	[tilespmem:s4], [sflag:$0x1] =	stream.linear.gather [hbm4b:s19+s4], $0x80, $0x38;
	[tilespmem:$0x5900] =	vst v63  }
0x1f: {  	_ =	swait.ge [sflag:s13], $0x80  }
0x20: {  	[sflag:s13] =	ssyncset.done $0x0  }
0x21: {  	s31 =	sadd.s32 $0x0, s10;
	[sflag:s13] =	ssyncadd.s32 $0xFFFFFF80  }
0x22: {  	[tilespmem:s17], [sflag:$0x1] =	stream.linear.gather [hbm4b:s31+s4], $0x80, $0x38;
	[tilespmem:$0x5900] =	vst v63  }
0x23: {  	_ =	swait.ge [sflag:s13], $0x80  }
0x24: {  	[sflag:s13] =	ssyncset.done $0x0  }
0x25: {  	[sflag:s13] =	ssyncadd.s32 $0xFFFFFF80  }
0x26: {  	[spmem:s2] =	stream.indirect.scatter.add.f32 [tilespmem:s12], [sflag:$0x1], $0x10, s4, s17, $0xb8;
	[tilespmem:$0x5900] =	vst v63  }
0x27: {  	_ =	swait.ge [sflag:s13], $0x800  }
0x28: {  	[sflag:s13] =	ssyncset.done $0x0  }
0x29: {  	[sflag:s13] =	ssyncadd.s32 $0xFFFFF800  }
0x2a: {  	[spmem:s3] =	stream.indirect.scatter.add.f32 [tilespmem:s12], [sflag:$0x1], $0x10, s17, s17, $0xb8;
	[tilespmem:$0x5900] =	vst v63  }
0x2b: {  	_ =	swait.ge [sflag:s13], $0x800  }
0x2c: {  	s20 =	simm.s32 $0x20;
	s19 =	simm.s32 $0x10;
	[sflag:s13] =	ssyncset.done $0x0  }
.LBB2_2:
0x2d: {  	s21 =	sadd.s32 s19, s11  }
0x2e: {  	[sflag:s13] =	ssyncadd.s32 $0xFFFFF800;
	s22 =	smov.u32 s20;
	s23 =	sadd.s32 $0x10, s20  }
0x2f: {  	[tilespmem:s4], [sflag:$0x1] =	stream.linear.gather [hbm4b:s21+s4], $0x80, $0x38;
	[tilespmem:$0x5900] =	vst v63  }
0x30: {  	p0 =	sne.s32 s20, $0x2F0;
	_ =	swait.ge [sflag:s13], $0x80  }
0x31: {  	[sflag:s13] =	ssyncset.done $0x0  }
0x32: {  	s20 =	sadd.s32 s19, s10;
	s19 =	smov.u32 s22;
	[sflag:s13] =	ssyncadd.s32 $0xFFFFFF80  }
0x33: {  	[tilespmem:s17], [sflag:$0x1] =	stream.linear.gather [hbm4b:s20+s4], $0x80, $0x38;
	[tilespmem:$0x5900] =	vst v63  }
0x34: {  	_ =	swait.ge [sflag:s13], $0x80  }
0x35: {  	[sflag:s13] =	ssyncset.done $0x0  }
0x36: {  	[sflag:s13] =	ssyncadd.s32 $0xFFFFFF80  }
0x37: {  	[spmem:s2] =	stream.indirect.scatter.add.f32 [tilespmem:s12], [sflag:$0x1], $0x10, s4, s17, $0xb8;
	[tilespmem:$0x5900] =	vst v63  }
0x38: {  	_ =	swait.ge [sflag:s13], $0x800  }
.Ltmp0:
0x39: {  	[sflag:s13] =	ssyncset.done $0x0;
	(pc) =	sbr.rel @p0 .LBB2_2-.Ltmp0, $4  }
0x3a: {  	[sflag:s13] =	ssyncadd.s32 $0xFFFFF800  }
0x3b: {  	[spmem:s3] =	stream.indirect.scatter.add.f32 [tilespmem:s12], [sflag:$0x1], $0x10, s17, s17, $0xb8;
	[tilespmem:$0x5900] =	vst v63  }
0x3c: {  	_ =	swait.ge [sflag:s13], $0x800  }
0x3d: {  	s20 =	smov.u32 s23;
	[sflag:s13] =	ssyncset.done $0x0  }
0x3e: {  	s20 =	sadd.s32 s19, s11;
	[sflag:s13] =	ssyncadd.s32 $0xFFFFF800  }
0x3f: {  	[tilespmem:s4], [sflag:$0x1] =	stream.linear.gather [hbm4b:s20+s4], $0x80, $0x38;
	[tilespmem:$0x5900] =	vst v63  }
0x40: {  	_ =	swait.ge [sflag:s13], $0x80  }
0x41: {  	[sflag:s13] =	ssyncset.done $0x0  }
0x42: {  	s31 =	sadd.s32 s19, s10;
	[sflag:s13] =	ssyncadd.s32 $0xFFFFFF80  }
0x43: {  	[tilespmem:s17], [sflag:$0x1] =	stream.linear.gather [hbm4b:s31+s4], $0x80, $0x38;
	[tilespmem:$0x5900] =	vst v63  }
0x44: {  	_ =	swait.ge [sflag:s13], $0x80  }
0x45: {  	[sflag:s13] =	ssyncset.done $0x0  }
0x46: {  	[sflag:s13] =	ssyncadd.s32 $0xFFFFFF80  }
0x47: {  	[spmem:s2] =	stream.indirect.scatter.add.f32 [tilespmem:s12], [sflag:$0x1], $0x10, s4, s17, $0xb8;
	[tilespmem:$0x5900] =	vst v63  }
0x48: {  	_ =	swait.ge [sflag:s13], $0x800  }
0x49: {  	[sflag:s13] =	ssyncset.done $0x0  }
0x4a: {  	[sflag:s13] =	ssyncadd.s32 $0xFFFFF800  }
0x4b: {  	[spmem:s3] =	stream.indirect.scatter.add.f32 [tilespmem:s12], [sflag:$0x1], $0x10, s17, s17, $0xb8;
	[tilespmem:$0x5900] =	vst v63  }
0x4c: {  	_ =	swait.ge [sflag:s13], $0x800  }
0x4d: {  	[sflag:s13] =	ssyncset.done $0x0  }
0x4e: {  	[sflag:s13] =	ssyncadd.s32 $0xFFFFF800  }
0x4f: {  	[bflag:$0x0] =	sbarrier.arrive $0xFFFF  }
0x50: {  	[hbm:s7], [sflag:s14] =	dma.local [spmem:s15], $0x500  }
0x51: {  	s18 =	sadd.s32 $0x1, s18;
	_ =	swait.ge [sflag:s13], $0x500  }
0x52: {  	p0 =	sne.s32 s18, s9;
	[sflag:s13] =	ssyncset.done $0x0  }
.Ltmp1:
0x53: {  	[sflag:s13] =	ssyncadd.s32 $0xFFFFFB00;
	(pc) =	sbr.rel @p0 .LBB2_1-.Ltmp1, $4  }
0x54: {  	[hbm:s8], [sflag:s14] =	dma.local [spmem:s16], $0x500  }
0x55: {  	_ =	swait.ge [sflag:s13], $0x500  }
0x56: {  	[sflag:s13] =	ssyncset.done $0x0  }
0x57: {  	[sflag:s13] =	ssyncadd.s32 $0xFFFFFB00  }
0x58: {  	_ =	sfence.sel $0x180000  }
0x59: {  	[bflag:$0x0] =	sbarrier.arrive $0xFFFF  }
0x5a: {  	p0 =	sne.s32 s0, $0x0;
	_ =	strace $0x90000053  }
0x5b: {  	s0 =	sadd.s32 @!p0 $0x100000, s1;
	[bflag:$0x2] =	sbarrier.arrive $0xFFFF  }
0x5c: {  	[sflag:s0] =	ssyncadd.tile.s32 @!p0 $0x1;
	_ =	shalt  }
.Lfunc_end2:
_tile_overlayer_lowered:
.L_overlay_start_2:
0x5d: {  	(tag) =	ssettag $0x2  }
0x5e: {  	s0 =	rddreg [dreg:$0x0];
	s2 =	stileid.u32  }
0x5f: {  	s1 =	rddreg [dreg:$0x1];
	p0 =	sne.s32 s2, $0x0  }
0x60: {  	s3 =	rddreg [dreg:$0x2];
	[bflag:$0x3] =	sbarrier.arrive $0xFFFF;
	s2 =	simm.s32 @!p0 $0x1C01  }
0x61: {  	[timem:s3], [sflag:s2] =	dma.local @!p0 [hbm:s0], s1  }
0x62: {  	s0 =	simm.s32 @!p0 $0x1  }
0x63: {  	_ =	swait.ge @!p0 [sflag:s0], s1  }
0x64: {  	s1 =	ssub.s32 @!p0 $0x0, s1;
	[sflag:s0] =	ssyncset.done @!p0 $0x0  }
0x65: {  	[sflag:s0] =	ssyncadd.s32 @!p0 s1  }
0x66: {  	[bflag:$0x3] =	sbarrier.arrive $0xFFFF  }
0x67: {  	_ =	shalt  }

// kernel: kernel.16.cloned.1.call-start
scs
__scs_entry_jumppad:
0x0: {  	(pc) =	sbr.rel $0x88, $3  }
0x1: {  	(tag) =	ssettag $0x0;
	lr =	simm.s32 $0x1  }
0x2: {  	[smem:$0x3F95] =	sst lr;
	_ =	strace $0xD0000000  }
0x3: {  	_ = 	snop  }
0x4: {  	_ = 	snop  }
0x5: {  	_ = 	snop  }
0x6: {  	_ = 	snop  }
0x7: {  	_ = 	snop  }
__scs_overlays_trampoline_lowered:
0x8: {  	[smem:$0x3FA4] =	sst s0  }
0x9: {  	[smem:$0x3FA5] =	sst s1  }
0xa: {  	[smem:$0x3FA6] =	sst s2  }
0xb: {  	[smem:$0x3FA7] =	sst s3  }
0xc: {  	[smem:$0x3FA8] =	sst s4  }
0xd: {  	[smem:$0x3FA9] =	sst s5  }
0xe: {  	[smem:$0x3FAA] =	sst s6  }
0xf: {  	[smem:$0x3FAB] =	sst s7  }
0x10: {  	[smem:$0x3FAC] =	sst s8  }
0x11: {  	[smem:$0x3FAD] =	sst s9;
	s0 =	simm.s32 @!p0 $0x0  }
0x12: {  	s1 =	sld [smem:$0x3F93];
	s0 =	simm.s32 @p0 $0x1  }
0x13: {  	[smem:$0x3FAE] =	sst s0;
	s0 =	simm.s32 @!p1 $0x0  }
0x14: {  	s2 =	sld [smem:$0x3F92];
	s0 =	simm.s32 @p1 $0x1  }
0x15: {  	[smem:$0x3FAF] =	sst s0;
	s0 =	simm.s32 @!p2 $0x0  }
0x16: {  	s3 =	sld [smem:$0x3FDB];
	s0 =	simm.s32 @p2 $0x1  }
0x17: {  	s4 =	simm.s32 $0x1BF5;
	[smem:$0x3FB1] =	sst s0  }
0x18: {  	s0 =	sld [smem:$0x3F94];
	_ =	swait.ge [sflag:s4], $0x0  }
0x19: {  	s7 =	sld [smem:$0x3F95]  }
0x1a: {  	s8 =	sadd.s32 $0xFFFFE003, lr  }
0x1b: {  	s9 =	sadd.s32 $0xFFFFFEF7, lr;
	s5 =	simm.s32 $0xFFFFFFFF;
	p2 =	slt.u32 s8, $0xFFFFF086  }
0x1c: {  	p1 =	slt.u32 s9, $0xF7A;
	s5 =	simm.s32 @!p2 $0x0  }
0x1d: {  	s5 =	simm.s32 @p1 $0x1;
	p0 =	seq.s32 s7, s2  }
0x1e: {  	s7 =	smul.u32 @!p0 $0xF7A, s2;
	p2 =	seq.s32 @!p0 s5, $0x0  }
0x1f: {  	s9 =	smul.u32 $0xF7A, s1;
	s8 =	simm.s32 @!p0 $0x1BF5;
	p2 =	por !p2, p0  }
0x20: {  	[sflag:s8] =	ssyncset.s32 @!p0 $0xFFFFF086;
	s6 =	sadd.s32 @!p0 s3, s7;
	s7 =	simm.s32 @!p0 $0x108  }
0x21: {  	s3 =	sadd.s32 s3, s9;
	s6 =	sadd.s32 @!p0 $0x88, s6;
	s7 =	simm.s32 @p2 $0x1082  }
0x22: {  	[simem:s7], [sflag:s8] =	dma.local @!p0 [hbm:s6], $0xF7A  }
0x23: {  	s9 =	sor.u32 $0xD0000000, s2;
	s6 =	simm.s32 $0x108;
	_ =	swait.ge @!p0 [sflag:s8], $0x0  }
0x24: {  	s3 =	sadd.s32 $0x88, s3;
	s6 =	simm.s32 @!p1 $0x1082;
	[sflag:s4] =	ssyncset.s32 $0xFFFFF086  }
0x25: {  	[simem:s6], [sflag:s4] =	dma.local [hbm:s3], $0xF7A  }
0x26: {  	[smem:$0x3F95] =	sst s1;
	(tag) =	ssettag s2;
	_ =	strace s9  }
0x27: {  	s1 =	sld [smem:$0x3FA5]  }
0x28: {  	s2 =	sld [smem:$0x3FA6]  }
0x29: {  	s4 =	sld [smem:$0x3FA8]  }
0x2a: {  	p0 =	seq.s32 s5, $0x0;
	s5 =	sld [smem:$0x3FA9]  }
0x2b: {  	s6 =	sld [smem:$0x3FAA]  }
0x2c: {  	s7 =	sld [smem:$0x3FAB]  }
0x2d: {  	s3 =	simm.s32 $0x108;
	s8 =	sld [smem:$0x3FAC]  }
0x2e: {  	s3 =	simm.s32 @!p0 $0x1082;
	s9 =	sld [smem:$0x3FAD]  }
0x2f: {  	lr =	sadd.s32 s0, s3;
	s0 =	sld [smem:$0x3FA4]  }
0x30: {  	s3 =	sld [smem:$0x3FA7]  }
0x31: {  	[smem:$0x3FB0] =	sst s10  }
0x32: {  	s10 =	sld [smem:$0x3FAE];
	_ =	sdelay $0x3  }
0x33: {  	p0 =	seq.s32 s10, $0x1;
	s10 =	sld [smem:$0x3FB0];
	_ =	sdelay $0x3  }
0x34: {  	[smem:$0x3FB0] =	sst s10  }
0x35: {  	s10 =	sld [smem:$0x3FAF];
	_ =	sdelay $0x3  }
0x36: {  	p1 =	seq.s32 s10, $0x1;
	s10 =	sld [smem:$0x3FB0];
	_ =	sdelay $0x3  }
0x37: {  	[smem:$0x3FB0] =	sst s10  }
0x38: {  	s10 =	sld [smem:$0x3FB1]  }
0x39: {  	_ = 	snop;
	(pc) =	sbr.ind lr, $3  }
0x3a: {  	_ = 	snop  }
0x3b: {  	_ = 	snop  }
0x3c: {  	p2 =	seq.s32 s10, $0x1;
	s10 =	sld [smem:$0x3FB0]  }
0x3d: {  	_ =	shalt  }
0x3e: {  	_ =	shalt  }
0x3f: {  	_ =	shalt  }
0x40: {  	_ =	shalt  }
0x41: {  	_ =	shalt  }
0x42: {  	_ =	shalt  }
0x43: {  	_ =	shalt  }
0x44: {  	_ =	shalt  }
0x45: {  	_ =	shalt  }
0x46: {  	_ =	shalt  }
0x47: {  	_ =	shalt  }
0x48: {  	_ =	shalt  }
0x49: {  	_ =	shalt  }
0x4a: {  	_ =	shalt  }
0x4b: {  	_ =	shalt  }
0x4c: {  	_ =	shalt  }
0x4d: {  	_ =	shalt  }
0x4e: {  	_ =	shalt  }
0x4f: {  	_ =	shalt  }
0x50: {  	_ =	shalt  }
0x51: {  	_ =	shalt  }
0x52: {  	_ =	shalt  }
0x53: {  	_ =	shalt  }
0x54: {  	_ =	shalt  }
0x55: {  	_ =	shalt  }
0x56: {  	_ =	shalt  }
0x57: {  	_ =	shalt  }
0x58: {  	_ =	shalt  }
0x59: {  	_ =	shalt  }
0x5a: {  	_ =	shalt  }
0x5b: {  	_ =	shalt  }
0x5c: {  	_ =	shalt  }
0x5d: {  	_ =	shalt  }
0x5e: {  	_ =	shalt  }
0x5f: {  	_ =	shalt  }
0x60: {  	_ =	shalt  }
0x61: {  	_ =	shalt  }
0x62: {  	_ =	shalt  }
0x63: {  	_ =	shalt  }
0x64: {  	_ =	shalt  }
0x65: {  	_ =	shalt  }
0x66: {  	_ =	shalt  }
0x67: {  	_ =	shalt  }
0x68: {  	_ =	shalt  }
0x69: {  	_ =	shalt  }
0x6a: {  	_ =	shalt  }
0x6b: {  	_ =	shalt  }
0x6c: {  	_ =	shalt  }
0x6d: {  	_ =	shalt  }
0x6e: {  	_ =	shalt  }
0x6f: {  	_ =	shalt  }
0x70: {  	_ =	shalt  }
0x71: {  	_ =	shalt  }
0x72: {  	_ =	shalt  }
0x73: {  	_ =	shalt  }
0x74: {  	_ =	shalt  }
0x75: {  	_ =	shalt  }
0x76: {  	_ =	shalt  }
0x77: {  	_ =	shalt  }
0x78: {  	_ =	shalt  }
0x79: {  	_ =	shalt  }
0x7a: {  	_ =	shalt  }
0x7b: {  	_ =	shalt  }
0x7c: {  	_ =	shalt  }
0x7d: {  	_ =	shalt  }
0x7e: {  	_ =	shalt  }
0x7f: {  	_ =	shalt  }
0x80: {  	_ =	shalt  }
0x81: {  	_ =	shalt  }
0x82: {  	_ =	shalt  }
0x83: {  	_ =	shalt  }
0x84: {  	_ =	shalt  }
0x85: {  	_ =	shalt  }
0x86: {  	_ =	shalt  }
0x87: {  	_ =	shalt  }
.Lfunc_end0:
.L_simem_size_0:
called_computation.5_lowered:
.L_overlay_start_0:
0x88: {  	s2 =	sld [smem:$0x3FD9]  }
0x89: {  	s3 =	sld [smem:$0x3FFE];
	_ =	sdelay $0x1  }
0x8a: {  	s1 =	srdreg.scid  }
0x8b: {  	s0 =	sand.u32 $0x1, s1  }
0x8c: {  	s14 =	sshll.u32 s0, $0xA;
	s2 =	sadd.s32 s3, s2  }
0x8d: {  	s2 =	sadd.s32 s2, s14  }
0x8e: {  	[smem:$0x3FBC] =	sst s2  }
0x8f: {  	_ = 	snop  }
0x90: {  	s2 =	sld [smem:$0x3FD0];
	_ =	sdelay $0x2  }
0x91: {  	s15 =	simm.s32 $0xA;
	s4 =	simm.s32 $0x10  }
0x92: {  	[smem:s4], [sflag:s15] =	dma.local [hbm:s2], $0x1  }
0x93: {  	_ =	swait.eq [sflag:s15], $0x1  }
0x94: {  	[sflag:s15] =	ssyncset.done $0x0  }
0x95: {  	[sflag:s15] =	ssyncadd.s32 $0xFFFFFFFF  }
0x96: {  	s16 =	sld [smem:$0x10];
	(tm) =	ssettm $0x1  }
0x97: {  	s17 =	sld [smem:$0x3FFB];
	_ =	sdelay $0x3  }
0x98: {  	_ =	strace s17  }
0x99: {  	s3 =	sld [smem:$0x3FFC];
	_ =	sdelay $0x3  }
0x9a: {  	_ =	strace s3  }
0x9b: {  	s3 =	sld [smem:$0x3FFD];
	_ =	sdelay $0x3  }
0x9c: {  	_ =	strace s3  }
0x9d: {  	_ =	strace $0x8FFFFFFF  }
0x9e: {  	s18 =	sld [smem:$0x3FDB];
	_ =	sdelay $0x1  }
0x9f: {  	s19 =	simm.s32 $_scs_section_size  }
0xa0: {  	s5 =	simm.s32 $_size__tile_overlayer_lowered;
	s6 =	simm.s32 $_tile_overlayer_lowered  }
0xa1: {  	s22 =	simm.s32 $0x1BFF;
	s21 =	sshll.u32 s6, $0x1;
	s3 =	sadd.s32 s19, s18  }
0xa2: {  	s7 =	simm.s32 $0x0;
	s20 =	sshll.u32 s5, $0x1;
	s5 =	sadd.s32 s21, s3  }
0xa3: {  	[timem:s7], [sflag:s22] =	dma.local [hbm:s5], s20  }
0xa4: {  	_ =	swait.ge [sflag:s22], s20  }
0xa5: {  	s4 =	ssub.s32 $0x0, s20;
	[sflag:s22] =	ssyncset.done $0x0  }
0xa6: {  	[sflag:s22] =	ssyncadd.s32 s4;
	_ =	sdelay $0x1  }
0xa7: {  	s23 =	simm.s32 $0x1B8B  }
0xa8: {  	_ =	swait.ge [sflag:s23], $0x1  }
0xa9: {  	[sflag:s23] =	ssyncset.done $0x0  }
0xaa: {  	s25 =	simm.s32 $0x1B8E;
	s24 =	sld [smem:$0x3FFE];
	[sflag:s23] =	ssyncadd.s32 $0xFFFFFFFF  }
0xab: {  	s26 =	simm.s32 $execute0_lowered;
	[smem:$0x3FD2] =	sst s25  }
0xac: {  	s5 =	sshll.u32 s26, $0x1;
	_ =	strace $0x80000055;
	[dreg:$0x1] =	wrdreg $0xFFFFFFFF  }
0xad: {  	s28 =	simm.s32 $_size_execute0_lowered;
	s3 =	sadd.s32 s3, s5;
	[dreg:$0x0] =	wrdreg $0x0  }
0xae: {  	s5 =	sshll.u32 s28, $0x1;
	[dreg:$0x2] =	wrdreg s3  }
0xaf: {  	[dreg:$0x3] =	wrdreg s5  }
0xb0: {  	[dreg:$0x4] =	wrdreg $0xC0  }
0xb1: {  	_ =	task [dreg:s7], $0x5FFFF  }
0xb2: {  	[dreg:$0x1] =	wrdreg $0xFFFFFFFF  }
0xb3: {  	[dreg:$0x0] =	wrdreg $0x60  }
0xb4: {  	[dreg:$0x2] =	wrdreg s24  }
0xb5: {  	[dreg:$0x3] =	wrdreg s16  }
0xb6: {  	[dreg:$0x4] =	wrdreg $0x21000  }
0xb7: {  	[dreg:$0x5] =	wrdreg $0x9  }
0xb8: {  	_ =	task.clear_ibuf [dreg:s7], $0x6FFFF;
	_ =	strace $0x90000055  }
0xb9: {  	s29 =	simm.s32 $0x9;
	_ =	strace $0x80000057  }
0xba: {  	_ =	swait.ge [sflag:s29], $0x1  }
0xbb: {  	[sflag:s29] =	ssyncadd.s32 $0xFFFFFFFF  }
0xbc: {  	_ =	strace $0x90000057  }
0xbd: {  	_ =	sfence  }
0xbe: {  	s30 =	sld [smem:$0x0];
	_ =	sdelay $0x2  }
0xbf: {  	s31 =	sshll.u32 s1, $0xD;
	s1 =	sshrl.u32 s1, $0x2  }
0xc0: {  	s3 =	sand.u32 $0x4000, s31;
	s1 =	sadd.s32 s1, s30  }
0xc1: {  	s0 =	sor.u32 s3, s0;
	s1 =	sshll.u32 s1, $0x11  }
0xc2: {  	s0 =	sor.u32 s1, s0  }
0xc3: {  	s0 =	sadd.s32 $0x8F2B, s0  }
0xc4: {  	[sflag:s0] =	ssyncadd.remote.s32 $0x1  }
0xc5: {  	_ =	sfence.sel $0xFFFF  }
0xc6: {  	[dreg:$0x0] =	wrdreg $0xFFFFFFFF;
	(pc) =	sbr.abs _section_cstart, $3  }
0xc7: {  	[dreg:$0x1] =	wrdreg $0xFFFFFFFF  }
0xc8: {  	_ =	task.clear_ibuf [dreg:s7], $0x2FFFF;
	_ =	strace $0x9FFFFFFF  }
0xc9: {  	(tm) =	ssettm $0x7FFFFFFF  }
tec
execute0_lowered:
.L_overlay_start_1:
0x0: {  	(tag) =	ssettag $0x1  }
0x1: {  	s5 =	rddreg [dreg:$0x0]  }
0x2: {  	s7 =	rddreg [dreg:$0x1]  }
0x3: {  	s2 =	rddreg [dreg:$0x2]  }
0x4: {  	s0 =	rddreg [dreg:$0x3]  }
0x5: {  	s4 =	srdreg.scid;
	s1 =	stileid.u32  }
0x6: {  	s3 =	simm.s32 $0x0;
	s13 =	simm.s32 $0x80;
	s14 =	simm.s32 $0x100  }
0x7: {  	s15 =	simm.s32 $0x1;
	s16 =	simm.s32 $0x0;
	s8 =	smul.u32 $0x3000, s1  }
0x8: {  	s6 =	sand.u32 $0x1, s4;
	[smem:$0x7FF] =	sst s3;
	s25 =	smul.u32 $0xA000, s1  }
0x9: {  	s4 =	sadd.s32 $0xD600, s5;
	s30 =	sshll.u32 s1, $0x6;
	s9 =	smul.u32 $0x1800, s6  }
0xa: {  	_ =	strace $0x80000056;
	s10 =	ssub.s32 $0x2, s6;
	s6 =	smul.u32 $0xA0000, s6  }
0xb: {  	s26 =	sshrl.u32 s25, $0x3;
	s12 =	sshrl.u32 s10, $0x1;
	s29 =	sadd.s32 s25, s2  }
0xc: {  	s8 =	sadd.s32 s9, s8;
	s28 =	ssub.s32 s10, s12;
	s6 =	sadd.s32 s25, s6  }
0xd: {  	s12 =	simm.s32 $0x2;
	s8 =	sshrl.u32 s8, $0x3;
	s31 =	sshrl.u32 s6, $0x3  }
0xe: {  	s6 =	sor.u32 $0x1C02, s30;
	s11 =	sadd.s32 s8, s5;
	s5 =	sadd.s32 s26, s5  }
0xf: {  	s7 =	sadd.s32 s7, s31;
	s8 =	smax.u32 s28, $0x1;
	s5 =	sadd.s32 $0x21600, s5  }
0x10: {  	s9 =	sadd.s32 $0x1600, s11;
	s10 =	sadd.s32 $0x7600, s11;
	s11 =	sshrl.u32 s29, $0x3  }
.LBB2_1:
0x11: {  	[spmem:s11], [sflag:s6] =	dma.local [hbm:s5], $0x1400  }
0x12: {  	_ =	swait.ge [sflag:s12], $0x1400  }
0x13: {  	[sflag:s12] =	ssyncset.done $0x0  }
0x14: {  	[sflag:s12] =	ssyncadd.s32 $0xFFFFEC00  }
0x15: {  	s17 =	sadd.s32 $0x0, s10;
	[bflag:$0x0] =	sbarrier.arrive $0xFFFF  }
0x16: {  	[tilespmem:s3], [sflag:$0x2] =	stream.linear.gather [hbm4b:s17+s3], $0x80, $0x38;
	[tilespmem:$0xC100] =	vst v63  }
0x17: {  	_ =	swait.ge [sflag:s12], $0x80  }
0x18: {  	[sflag:s12] =	ssyncset.done $0x0  }
0x19: {  	s31 =	sadd.s32 $0x0, s9;
	[sflag:s12] =	ssyncadd.s32 $0xFFFFFF80  }
0x1a: {  	[tilespmem:s13], [sflag:$0x2] =	stream.linear.gather [hbm4b:s31+s3], $0x80, $0x38;
	[tilespmem:$0xC100] =	vst v63  }
0x1b: {  	_ =	swait.ge [sflag:s12], $0x80  }
0x1c: {  	[sflag:s12] =	ssyncset.done $0x0  }
0x1d: {  	[sflag:s12] =	ssyncadd.s32 $0xFFFFFF80  }
0x1e: {  	[tilespmem:s14], [sflag:$0x1] =	stream.indirect.gather [hbm4b:s4+s13], $0x40, s3, s13, $0xb8;
	[tilespmem:$0xC100] =	vst v63  }
0x1f: {  	_ =	swait.ge [sflag:s15], $0x2000  }
0x20: {  	[sflag:s15] =	ssyncset.done $0x0  }
0x21: {  	[sflag:s15] =	ssyncadd.s32 $0xFFFFE000  }
0x22: {  	[spmem:s2] =	stream.indirect.scatter.add.f32 [tilespmem:s14], [sflag:$0x2], $0x40, s13, s13, $0xb8;
	[tilespmem:$0xC100] =	vst v63  }
0x23: {  	_ =	swait.ge [sflag:s12], $0x2000  }
0x24: {  	s18 =	simm.s32 $0x20;
	s17 =	simm.s32 $0x10;
	[sflag:s12] =	ssyncset.done $0x0  }
.LBB2_2:
0x25: {  	s19 =	sadd.s32 s17, s10  }
0x26: {  	[sflag:s12] =	ssyncadd.s32 $0xFFFFE000;
	s20 =	smov.u32 s18;
	s21 =	sadd.s32 $0x10, s18  }
0x27: {  	[tilespmem:s3], [sflag:$0x2] =	stream.linear.gather [hbm4b:s19+s3], $0x80, $0x38;
	[tilespmem:$0xC100] =	vst v63  }
0x28: {  	p0 =	sne.s32 s18, $0x2F0;
	_ =	swait.ge [sflag:s12], $0x80  }
0x29: {  	[sflag:s12] =	ssyncset.done $0x0  }
0x2a: {  	s18 =	sadd.s32 s17, s9;
	s17 =	smov.u32 s20;
	[sflag:s12] =	ssyncadd.s32 $0xFFFFFF80  }
0x2b: {  	[tilespmem:s13], [sflag:$0x2] =	stream.linear.gather [hbm4b:s18+s3], $0x80, $0x38;
	[tilespmem:$0xC100] =	vst v63  }
0x2c: {  	_ =	swait.ge [sflag:s12], $0x80  }
0x2d: {  	[sflag:s12] =	ssyncset.done $0x0  }
0x2e: {  	[sflag:s12] =	ssyncadd.s32 $0xFFFFFF80  }
0x2f: {  	[tilespmem:s14], [sflag:$0x1] =	stream.indirect.gather [hbm4b:s4+s13], $0x40, s3, s13, $0xb8;
	[tilespmem:$0xC100] =	vst v63  }
0x30: {  	_ =	swait.ge [sflag:s15], $0x2000  }
.Ltmp0:
0x31: {  	[sflag:s15] =	ssyncset.done $0x0;
	(pc) =	sbr.rel @p0 .LBB2_2-.Ltmp0, $4  }
0x32: {  	[sflag:s15] =	ssyncadd.s32 $0xFFFFE000  }
0x33: {  	[spmem:s2] =	stream.indirect.scatter.add.f32 [tilespmem:s14], [sflag:$0x2], $0x40, s13, s13, $0xb8;
	[tilespmem:$0xC100] =	vst v63  }
0x34: {  	_ =	swait.ge [sflag:s12], $0x2000  }
0x35: {  	s18 =	smov.u32 s21;
	[sflag:s12] =	ssyncset.done $0x0  }
0x36: {  	s18 =	sadd.s32 s17, s10;
	[sflag:s12] =	ssyncadd.s32 $0xFFFFE000  }
0x37: {  	[tilespmem:s3], [sflag:$0x2] =	stream.linear.gather [hbm4b:s18+s3], $0x80, $0x38;
	[tilespmem:$0xC100] =	vst v63  }
0x38: {  	_ =	swait.ge [sflag:s12], $0x80  }
0x39: {  	[sflag:s12] =	ssyncset.done $0x0  }
0x3a: {  	s31 =	sadd.s32 s17, s9;
	[sflag:s12] =	ssyncadd.s32 $0xFFFFFF80  }
0x3b: {  	[tilespmem:s13], [sflag:$0x2] =	stream.linear.gather [hbm4b:s31+s3], $0x80, $0x38;
	[tilespmem:$0xC100] =	vst v63  }
0x3c: {  	_ =	swait.ge [sflag:s12], $0x80  }
0x3d: {  	[sflag:s12] =	ssyncset.done $0x0  }
0x3e: {  	[sflag:s12] =	ssyncadd.s32 $0xFFFFFF80  }
0x3f: {  	[tilespmem:s14], [sflag:$0x1] =	stream.indirect.gather [hbm4b:s4+s13], $0x40, s3, s13, $0xb8;
	[tilespmem:$0xC100] =	vst v63  }
0x40: {  	_ =	swait.ge [sflag:s15], $0x2000  }
0x41: {  	[sflag:s15] =	ssyncset.done $0x0  }
0x42: {  	[sflag:s15] =	ssyncadd.s32 $0xFFFFE000  }
0x43: {  	[spmem:s2] =	stream.indirect.scatter.add.f32 [tilespmem:s14], [sflag:$0x2], $0x40, s13, s13, $0xb8;
	[tilespmem:$0xC100] =	vst v63  }
0x44: {  	_ =	swait.ge [sflag:s12], $0x2000  }
0x45: {  	s16 =	sadd.s32 $0x1, s16;
	[sflag:s12] =	ssyncset.done $0x0  }
0x46: {  	p0 =	sne.s32 s16, s8;
	[sflag:s12] =	ssyncadd.s32 $0xFFFFE000  }
.Ltmp1:
0x47: {  	[bflag:$0x0] =	sbarrier.arrive $0xFFFF;
	(pc) =	sbr.rel @p0 .LBB2_1-.Ltmp1, $4  }
0x48: {  	[hbm:s7], [sflag:s6] =	dma.local [spmem:s11], $0x1400  }
0x49: {  	_ =	swait.ge [sflag:s12], $0x1400  }
0x4a: {  	[sflag:s12] =	ssyncset.done $0x0  }
0x4b: {  	[sflag:s12] =	ssyncadd.s32 $0xFFFFEC00  }
0x4c: {  	_ =	sfence.sel $0x180000  }
0x4d: {  	[bflag:$0x0] =	sbarrier.arrive $0xFFFF  }
0x4e: {  	p0 =	sne.s32 s1, $0x0;
	_ =	strace $0x90000056  }
0x4f: {  	s0 =	sadd.s32 @!p0 $0x100000, s0;
	[bflag:$0x2] =	sbarrier.arrive $0xFFFF  }
0x50: {  	[sflag:s0] =	ssyncadd.tile.s32 @!p0 $0x1;
	_ =	shalt  }
.Lfunc_end2:
_tile_overlayer_lowered:
.L_overlay_start_2:
0x51: {  	(tag) =	ssettag $0x2  }
0x52: {  	s0 =	rddreg [dreg:$0x0];
	s2 =	stileid.u32  }
0x53: {  	s1 =	rddreg [dreg:$0x1];
	p0 =	sne.s32 s2, $0x0  }
0x54: {  	s3 =	rddreg [dreg:$0x2];
	[bflag:$0x3] =	sbarrier.arrive $0xFFFF;
	s2 =	simm.s32 @!p0 $0x1C02  }
0x55: {  	[timem:s3], [sflag:s2] =	dma.local @!p0 [hbm:s0], s1  }
0x56: {  	s0 =	simm.s32 @!p0 $0x2  }
0x57: {  	_ =	swait.ge @!p0 [sflag:s0], s1  }
0x58: {  	s1 =	ssub.s32 @!p0 $0x0, s1;
	[sflag:s0] =	ssyncset.done @!p0 $0x0  }
0x59: {  	[sflag:s0] =	ssyncadd.s32 @!p0 s1  }
0x5a: {  	[bflag:$0x3] =	sbarrier.arrive $0xFFFF  }
0x5b: {  	_ =	shalt  }

// kernel: kernel.19.cloned.1.call-start
scs
__scs_entry_jumppad:
0x0: {  	(pc) =	sbr.rel $0x88, $3  }
0x1: {  	(tag) =	ssettag $0x0;
	lr =	simm.s32 $0x1  }
0x2: {  	[smem:$0x3F95] =	sst lr;
	_ =	strace $0xD0000000  }
0x3: {  	_ = 	snop  }
0x4: {  	_ = 	snop  }
0x5: {  	_ = 	snop  }
0x6: {  	_ = 	snop  }
0x7: {  	_ = 	snop  }
__scs_overlays_trampoline_lowered:
0x8: {  	[smem:$0x3FA4] =	sst s0  }
0x9: {  	[smem:$0x3FA5] =	sst s1  }
0xa: {  	[smem:$0x3FA6] =	sst s2  }
0xb: {  	[smem:$0x3FA7] =	sst s3  }
0xc: {  	[smem:$0x3FA8] =	sst s4  }
0xd: {  	[smem:$0x3FA9] =	sst s5  }
0xe: {  	[smem:$0x3FAA] =	sst s6  }
0xf: {  	[smem:$0x3FAB] =	sst s7  }
0x10: {  	[smem:$0x3FAC] =	sst s8  }
0x11: {  	[smem:$0x3FAD] =	sst s9;
	s0 =	simm.s32 @!p0 $0x0  }
0x12: {  	s1 =	sld [smem:$0x3F93];
	s0 =	simm.s32 @p0 $0x1  }
0x13: {  	[smem:$0x3FAE] =	sst s0;
	s0 =	simm.s32 @!p1 $0x0  }
0x14: {  	s2 =	sld [smem:$0x3F92];
	s0 =	simm.s32 @p1 $0x1  }
0x15: {  	[smem:$0x3FAF] =	sst s0;
	s0 =	simm.s32 @!p2 $0x0  }
0x16: {  	s3 =	sld [smem:$0x3FDB];
	s0 =	simm.s32 @p2 $0x1  }
0x17: {  	s4 =	simm.s32 $0x1BF5;
	[smem:$0x3FB1] =	sst s0  }
0x18: {  	s0 =	sld [smem:$0x3F94];
	_ =	swait.ge [sflag:s4], $0x0  }
0x19: {  	s7 =	sld [smem:$0x3F95]  }
0x1a: {  	s8 =	sadd.s32 $0xFFFFE003, lr  }
0x1b: {  	s9 =	sadd.s32 $0xFFFFFEF7, lr;
	s5 =	simm.s32 $0xFFFFFFFF;
	p2 =	slt.u32 s8, $0xFFFFF086  }
0x1c: {  	p1 =	slt.u32 s9, $0xF7A;
	s5 =	simm.s32 @!p2 $0x0  }
0x1d: {  	s5 =	simm.s32 @p1 $0x1;
	p0 =	seq.s32 s7, s2  }
0x1e: {  	s7 =	smul.u32 @!p0 $0xF7A, s2;
	p2 =	seq.s32 @!p0 s5, $0x0  }
0x1f: {  	s9 =	smul.u32 $0xF7A, s1;
	s8 =	simm.s32 @!p0 $0x1BF5;
	p2 =	por !p2, p0  }
0x20: {  	[sflag:s8] =	ssyncset.s32 @!p0 $0xFFFFF086;
	s6 =	sadd.s32 @!p0 s3, s7;
	s7 =	simm.s32 @!p0 $0x108  }
0x21: {  	s3 =	sadd.s32 s3, s9;
	s6 =	sadd.s32 @!p0 $0x88, s6;
	s7 =	simm.s32 @p2 $0x1082  }
0x22: {  	[simem:s7], [sflag:s8] =	dma.local @!p0 [hbm:s6], $0xF7A  }
0x23: {  	s9 =	sor.u32 $0xD0000000, s2;
	s6 =	simm.s32 $0x108;
	_ =	swait.ge @!p0 [sflag:s8], $0x0  }
0x24: {  	s3 =	sadd.s32 $0x88, s3;
	s6 =	simm.s32 @!p1 $0x1082;
	[sflag:s4] =	ssyncset.s32 $0xFFFFF086  }
0x25: {  	[simem:s6], [sflag:s4] =	dma.local [hbm:s3], $0xF7A  }
0x26: {  	[smem:$0x3F95] =	sst s1;
	(tag) =	ssettag s2;
	_ =	strace s9  }
0x27: {  	s1 =	sld [smem:$0x3FA5]  }
0x28: {  	s2 =	sld [smem:$0x3FA6]  }
0x29: {  	s4 =	sld [smem:$0x3FA8]  }
0x2a: {  	p0 =	seq.s32 s5, $0x0;
	s5 =	sld [smem:$0x3FA9]  }
0x2b: {  	s6 =	sld [smem:$0x3FAA]  }
0x2c: {  	s7 =	sld [smem:$0x3FAB]  }
0x2d: {  	s3 =	simm.s32 $0x108;
	s8 =	sld [smem:$0x3FAC]  }
0x2e: {  	s3 =	simm.s32 @!p0 $0x1082;
	s9 =	sld [smem:$0x3FAD]  }
0x2f: {  	lr =	sadd.s32 s0, s3;
	s0 =	sld [smem:$0x3FA4]  }
0x30: {  	s3 =	sld [smem:$0x3FA7]  }
0x31: {  	[smem:$0x3FB0] =	sst s10  }
0x32: {  	s10 =	sld [smem:$0x3FAE];
	_ =	sdelay $0x3  }
0x33: {  	p0 =	seq.s32 s10, $0x1;
	s10 =	sld [smem:$0x3FB0];
	_ =	sdelay $0x3  }
0x34: {  	[smem:$0x3FB0] =	sst s10  }
0x35: {  	s10 =	sld [smem:$0x3FAF];
	_ =	sdelay $0x3  }
0x36: {  	p1 =	seq.s32 s10, $0x1;
	s10 =	sld [smem:$0x3FB0];
	_ =	sdelay $0x3  }
0x37: {  	[smem:$0x3FB0] =	sst s10  }
0x38: {  	s10 =	sld [smem:$0x3FB1]  }
0x39: {  	_ = 	snop;
	(pc) =	sbr.ind lr, $3  }
0x3a: {  	_ = 	snop  }
0x3b: {  	_ = 	snop  }
0x3c: {  	p2 =	seq.s32 s10, $0x1;
	s10 =	sld [smem:$0x3FB0]  }
0x3d: {  	_ =	shalt  }
0x3e: {  	_ =	shalt  }
0x3f: {  	_ =	shalt  }
0x40: {  	_ =	shalt  }
0x41: {  	_ =	shalt  }
0x42: {  	_ =	shalt  }
0x43: {  	_ =	shalt  }
0x44: {  	_ =	shalt  }
0x45: {  	_ =	shalt  }
0x46: {  	_ =	shalt  }
0x47: {  	_ =	shalt  }
0x48: {  	_ =	shalt  }
0x49: {  	_ =	shalt  }
0x4a: {  	_ =	shalt  }
0x4b: {  	_ =	shalt  }
0x4c: {  	_ =	shalt  }
0x4d: {  	_ =	shalt  }
0x4e: {  	_ =	shalt  }
0x4f: {  	_ =	shalt  }
0x50: {  	_ =	shalt  }
0x51: {  	_ =	shalt  }
0x52: {  	_ =	shalt  }
0x53: {  	_ =	shalt  }
0x54: {  	_ =	shalt  }
0x55: {  	_ =	shalt  }
0x56: {  	_ =	shalt  }
0x57: {  	_ =	shalt  }
0x58: {  	_ =	shalt  }
0x59: {  	_ =	shalt  }
0x5a: {  	_ =	shalt  }
0x5b: {  	_ =	shalt  }
0x5c: {  	_ =	shalt  }
0x5d: {  	_ =	shalt  }
0x5e: {  	_ =	shalt  }
0x5f: {  	_ =	shalt  }
0x60: {  	_ =	shalt  }
0x61: {  	_ =	shalt  }
0x62: {  	_ =	shalt  }
0x63: {  	_ =	shalt  }
0x64: {  	_ =	shalt  }
0x65: {  	_ =	shalt  }
0x66: {  	_ =	shalt  }
0x67: {  	_ =	shalt  }
0x68: {  	_ =	shalt  }
0x69: {  	_ =	shalt  }
0x6a: {  	_ =	shalt  }
0x6b: {  	_ =	shalt  }
0x6c: {  	_ =	shalt  }
0x6d: {  	_ =	shalt  }
0x6e: {  	_ =	shalt  }
0x6f: {  	_ =	shalt  }
0x70: {  	_ =	shalt  }
0x71: {  	_ =	shalt  }
0x72: {  	_ =	shalt  }
0x73: {  	_ =	shalt  }
0x74: {  	_ =	shalt  }
0x75: {  	_ =	shalt  }
0x76: {  	_ =	shalt  }
0x77: {  	_ =	shalt  }
0x78: {  	_ =	shalt  }
0x79: {  	_ =	shalt  }
0x7a: {  	_ =	shalt  }
0x7b: {  	_ =	shalt  }
0x7c: {  	_ =	shalt  }
0x7d: {  	_ =	shalt  }
0x7e: {  	_ =	shalt  }
0x7f: {  	_ =	shalt  }
0x80: {  	_ =	shalt  }
0x81: {  	_ =	shalt  }
0x82: {  	_ =	shalt  }
0x83: {  	_ =	shalt  }
0x84: {  	_ =	shalt  }
0x85: {  	_ =	shalt  }
0x86: {  	_ =	shalt  }
0x87: {  	_ =	shalt  }
.Lfunc_end0:
.L_simem_size_0:
called_computation.6_lowered:
.L_overlay_start_0:
0x88: {  	s2 =	sld [smem:$0x3FD9]  }
0x89: {  	s3 =	sld [smem:$0x3FFE];
	_ =	sdelay $0x1  }
0x8a: {  	s1 =	srdreg.scid  }
0x8b: {  	s0 =	sand.u32 $0x1, s1  }
0x8c: {  	s14 =	sshll.u32 s0, $0xA;
	s2 =	sadd.s32 s3, s2  }
0x8d: {  	s2 =	sadd.s32 s2, s14  }
0x8e: {  	[smem:$0x3FBC] =	sst s2  }
0x8f: {  	_ = 	snop  }
0x90: {  	s2 =	sld [smem:$0x3FD0];
	_ =	sdelay $0x2  }
0x91: {  	s15 =	simm.s32 $0xA;
	s4 =	simm.s32 $0x10  }
0x92: {  	[smem:s4], [sflag:s15] =	dma.local [hbm:s2], $0x1  }
0x93: {  	_ =	swait.eq [sflag:s15], $0x1  }
0x94: {  	[sflag:s15] =	ssyncset.done $0x0  }
0x95: {  	[sflag:s15] =	ssyncadd.s32 $0xFFFFFFFF  }
0x96: {  	s16 =	sld [smem:$0x10];
	(tm) =	ssettm $0x1  }
0x97: {  	s17 =	sld [smem:$0x3FFB];
	_ =	sdelay $0x3  }
0x98: {  	_ =	strace s17  }
0x99: {  	s3 =	sld [smem:$0x3FFC];
	_ =	sdelay $0x3  }
0x9a: {  	_ =	strace s3  }
0x9b: {  	s3 =	sld [smem:$0x3FFD];
	_ =	sdelay $0x3  }
0x9c: {  	_ =	strace s3  }
0x9d: {  	_ =	strace $0x8FFFFFFF  }
0x9e: {  	s18 =	sld [smem:$0x3FDB];
	_ =	sdelay $0x1  }
0x9f: {  	s19 =	simm.s32 $_scs_section_size  }
0xa0: {  	s5 =	simm.s32 $_size__tile_overlayer_lowered;
	s6 =	simm.s32 $_tile_overlayer_lowered  }
0xa1: {  	s22 =	simm.s32 $0x1BFF;
	s21 =	sshll.u32 s6, $0x1;
	s3 =	sadd.s32 s19, s18  }
0xa2: {  	s7 =	simm.s32 $0x0;
	s20 =	sshll.u32 s5, $0x1;
	s5 =	sadd.s32 s21, s3  }
0xa3: {  	[timem:s7], [sflag:s22] =	dma.local [hbm:s5], s20  }
0xa4: {  	_ =	swait.ge [sflag:s22], s20  }
0xa5: {  	s4 =	ssub.s32 $0x0, s20;
	[sflag:s22] =	ssyncset.done $0x0  }
0xa6: {  	[sflag:s22] =	ssyncadd.s32 s4;
	_ =	sdelay $0x1  }
0xa7: {  	s23 =	simm.s32 $0x1B8B  }
0xa8: {  	_ =	swait.ge [sflag:s23], $0x1  }
0xa9: {  	[sflag:s23] =	ssyncset.done $0x0  }
0xaa: {  	s25 =	simm.s32 $0x1B8E;
	s24 =	sld [smem:$0x3FFE];
	[sflag:s23] =	ssyncadd.s32 $0xFFFFFFFF  }
0xab: {  	s26 =	simm.s32 $execute0_lowered;
	[smem:$0x3FD2] =	sst s25  }
0xac: {  	s5 =	sshll.u32 s26, $0x1;
	_ =	strace $0x80000058;
	[dreg:$0x1] =	wrdreg $0xFFFFFFFF  }
0xad: {  	s28 =	simm.s32 $_size_execute0_lowered;
	s3 =	sadd.s32 s3, s5;
	[dreg:$0x0] =	wrdreg $0x0  }
0xae: {  	s5 =	sshll.u32 s28, $0x1;
	[dreg:$0x2] =	wrdreg s3  }
0xaf: {  	[dreg:$0x3] =	wrdreg s5  }
0xb0: {  	[dreg:$0x4] =	wrdreg $0xC0  }
0xb1: {  	_ =	task [dreg:s7], $0x5FFFF  }
0xb2: {  	[dreg:$0x1] =	wrdreg $0xFFFFFFFF  }
0xb3: {  	[dreg:$0x0] =	wrdreg $0x60  }
0xb4: {  	[dreg:$0x2] =	wrdreg s24  }
0xb5: {  	[dreg:$0x3] =	wrdreg s16  }
0xb6: {  	[dreg:$0x4] =	wrdreg $0x11000  }
0xb7: {  	[dreg:$0x5] =	wrdreg $0x9  }
0xb8: {  	_ =	task.clear_ibuf [dreg:s7], $0x6FFFF;
	_ =	strace $0x90000058  }
0xb9: {  	s29 =	simm.s32 $0x9;
	_ =	strace $0x8000005A  }
0xba: {  	_ =	swait.ge [sflag:s29], $0x1  }
0xbb: {  	[sflag:s29] =	ssyncadd.s32 $0xFFFFFFFF  }
0xbc: {  	_ =	strace $0x9000005A  }
0xbd: {  	_ =	sfence  }
0xbe: {  	s30 =	sld [smem:$0x0];
	_ =	sdelay $0x2  }
0xbf: {  	s31 =	sshll.u32 s1, $0xD;
	s1 =	sshrl.u32 s1, $0x2  }
0xc0: {  	s3 =	sand.u32 $0x4000, s31;
	s1 =	sadd.s32 s1, s30  }
0xc1: {  	s0 =	sor.u32 s3, s0;
	s1 =	sshll.u32 s1, $0x11  }
0xc2: {  	s0 =	sor.u32 s1, s0  }
0xc3: {  	s0 =	sadd.s32 $0x8F2B, s0  }
0xc4: {  	[sflag:s0] =	ssyncadd.remote.s32 $0x1  }
0xc5: {  	_ =	sfence.sel $0xFFFF  }
0xc6: {  	[dreg:$0x0] =	wrdreg $0xFFFFFFFF;
	(pc) =	sbr.abs _section_cstart, $3  }
0xc7: {  	[dreg:$0x1] =	wrdreg $0xFFFFFFFF  }
0xc8: {  	_ =	task.clear_ibuf [dreg:s7], $0x2FFFF;
	_ =	strace $0x9FFFFFFF  }
0xc9: {  	(tm) =	ssettm $0x7FFFFFFF  }
tec
execute0_lowered:
.L_overlay_start_1:
0x0: {  	(tag) =	ssettag $0x1  }
0x1: {  	s5 =	rddreg [dreg:$0x0]  }
0x2: {  	s7 =	rddreg [dreg:$0x1]  }
0x3: {  	s2 =	rddreg [dreg:$0x2]  }
0x4: {  	s0 =	rddreg [dreg:$0x3]  }
0x5: {  	s4 =	srdreg.scid;
	s1 =	stileid.u32  }
0x6: {  	s3 =	simm.s32 $0x0;
	s13 =	simm.s32 $0x80;
	s14 =	simm.s32 $0x100  }
0x7: {  	s15 =	simm.s32 $0x1;
	s16 =	simm.s32 $0x0;
	s8 =	smul.u32 $0x3000, s1  }
0x8: {  	s6 =	sand.u32 $0x1, s4;
	[smem:$0x7FF] =	sst s3;
	s25 =	smul.u32 $0x5000, s1  }
0x9: {  	s4 =	sadd.s32 $0xD600, s5;
	s30 =	sshll.u32 s1, $0x6;
	s9 =	smul.u32 $0x1800, s6  }
0xa: {  	_ =	strace $0x80000059;
	s10 =	ssub.s32 $0x2, s6;
	s6 =	smul.u32 $0x50000, s6  }
0xb: {  	s26 =	sshrl.u32 s25, $0x3;
	s12 =	sshrl.u32 s10, $0x1;
	s29 =	sadd.s32 s25, s2  }
0xc: {  	s8 =	sadd.s32 s9, s8;
	s28 =	ssub.s32 s10, s12;
	s6 =	sadd.s32 s25, s6  }
0xd: {  	s12 =	simm.s32 $0x2;
	s8 =	sshrl.u32 s8, $0x3;
	s31 =	sshrl.u32 s6, $0x3  }
0xe: {  	s6 =	sor.u32 $0x1C02, s30;
	s11 =	sadd.s32 s8, s5;
	s5 =	sadd.s32 s26, s5  }
0xf: {  	s7 =	sadd.s32 s7, s31;
	s8 =	smax.u32 s28, $0x1;
	s5 =	sadd.s32 $0x17600, s5  }
0x10: {  	s9 =	sadd.s32 $0x1600, s11;
	s10 =	sadd.s32 $0x7600, s11;
	s11 =	sshrl.u32 s29, $0x3  }
.LBB2_1:
0x11: {  	[spmem:s11], [sflag:s6] =	dma.local [hbm:s5], $0xA00  }
0x12: {  	_ =	swait.ge [sflag:s12], $0xA00  }
0x13: {  	[sflag:s12] =	ssyncset.done $0x0  }
0x14: {  	[sflag:s12] =	ssyncadd.s32 $0xFFFFF600  }
0x15: {  	s17 =	sadd.s32 $0x0, s10;
	[bflag:$0x0] =	sbarrier.arrive $0xFFFF  }
0x16: {  	[tilespmem:s3], [sflag:$0x2] =	stream.linear.gather [hbm4b:s17+s3], $0x80, $0x38;
	[tilespmem:$0x6100] =	vst v63  }
0x17: {  	_ =	swait.ge [sflag:s12], $0x80  }
0x18: {  	[sflag:s12] =	ssyncset.done $0x0  }
0x19: {  	s31 =	sadd.s32 $0x0, s9;
	[sflag:s12] =	ssyncadd.s32 $0xFFFFFF80  }
0x1a: {  	[tilespmem:s13], [sflag:$0x2] =	stream.linear.gather [hbm4b:s31+s3], $0x80, $0x38;
	[tilespmem:$0x6100] =	vst v63  }
0x1b: {  	_ =	swait.ge [sflag:s12], $0x80  }
0x1c: {  	[sflag:s12] =	ssyncset.done $0x0  }
0x1d: {  	[sflag:s12] =	ssyncadd.s32 $0xFFFFFF80  }
0x1e: {  	[tilespmem:s14], [sflag:$0x1] =	stream.indirect.gather [hbm4b:s4+s13], $0x20, s3, s13, $0xb8;
	[tilespmem:$0x6100] =	vst v63  }
0x1f: {  	_ =	swait.ge [sflag:s15], $0x1000  }
0x20: {  	[sflag:s15] =	ssyncset.done $0x0  }
0x21: {  	[sflag:s15] =	ssyncadd.s32 $0xFFFFF000  }
0x22: {  	[spmem:s2] =	stream.indirect.scatter.add.f32 [tilespmem:s14], [sflag:$0x2], $0x20, s13, s13, $0xb8;
	[tilespmem:$0x6100] =	vst v63  }
0x23: {  	_ =	swait.ge [sflag:s12], $0x1000  }
0x24: {  	s18 =	simm.s32 $0x20;
	s17 =	simm.s32 $0x10;
	[sflag:s12] =	ssyncset.done $0x0  }
.LBB2_2:
0x25: {  	s19 =	sadd.s32 s17, s10  }
0x26: {  	[sflag:s12] =	ssyncadd.s32 $0xFFFFF000;
	s20 =	smov.u32 s18;
	s21 =	sadd.s32 $0x10, s18  }
0x27: {  	[tilespmem:s3], [sflag:$0x2] =	stream.linear.gather [hbm4b:s19+s3], $0x80, $0x38;
	[tilespmem:$0x6100] =	vst v63  }
0x28: {  	p0 =	sne.s32 s18, $0x2F0;
	_ =	swait.ge [sflag:s12], $0x80  }
0x29: {  	[sflag:s12] =	ssyncset.done $0x0  }
0x2a: {  	s18 =	sadd.s32 s17, s9;
	s17 =	smov.u32 s20;
	[sflag:s12] =	ssyncadd.s32 $0xFFFFFF80  }
0x2b: {  	[tilespmem:s13], [sflag:$0x2] =	stream.linear.gather [hbm4b:s18+s3], $0x80, $0x38;
	[tilespmem:$0x6100] =	vst v63  }
0x2c: {  	_ =	swait.ge [sflag:s12], $0x80  }
0x2d: {  	[sflag:s12] =	ssyncset.done $0x0  }
0x2e: {  	[sflag:s12] =	ssyncadd.s32 $0xFFFFFF80  }
0x2f: {  	[tilespmem:s14], [sflag:$0x1] =	stream.indirect.gather [hbm4b:s4+s13], $0x20, s3, s13, $0xb8;
	[tilespmem:$0x6100] =	vst v63  }
0x30: {  	_ =	swait.ge [sflag:s15], $0x1000  }
.Ltmp0:
0x31: {  	[sflag:s15] =	ssyncset.done $0x0;
	(pc) =	sbr.rel @p0 .LBB2_2-.Ltmp0, $4  }
0x32: {  	[sflag:s15] =	ssyncadd.s32 $0xFFFFF000  }
0x33: {  	[spmem:s2] =	stream.indirect.scatter.add.f32 [tilespmem:s14], [sflag:$0x2], $0x20, s13, s13, $0xb8;
	[tilespmem:$0x6100] =	vst v63  }
0x34: {  	_ =	swait.ge [sflag:s12], $0x1000  }
0x35: {  	s18 =	smov.u32 s21;
	[sflag:s12] =	ssyncset.done $0x0  }
0x36: {  	s18 =	sadd.s32 s17, s10;
	[sflag:s12] =	ssyncadd.s32 $0xFFFFF000  }
0x37: {  	[tilespmem:s3], [sflag:$0x2] =	stream.linear.gather [hbm4b:s18+s3], $0x80, $0x38;
	[tilespmem:$0x6100] =	vst v63  }
0x38: {  	_ =	swait.ge [sflag:s12], $0x80  }
0x39: {  	[sflag:s12] =	ssyncset.done $0x0  }
0x3a: {  	s31 =	sadd.s32 s17, s9;
	[sflag:s12] =	ssyncadd.s32 $0xFFFFFF80  }
0x3b: {  	[tilespmem:s13], [sflag:$0x2] =	stream.linear.gather [hbm4b:s31+s3], $0x80, $0x38;
	[tilespmem:$0x6100] =	vst v63  }
0x3c: {  	_ =	swait.ge [sflag:s12], $0x80  }
0x3d: {  	[sflag:s12] =	ssyncset.done $0x0  }
0x3e: {  	[sflag:s12] =	ssyncadd.s32 $0xFFFFFF80  }
0x3f: {  	[tilespmem:s14], [sflag:$0x1] =	stream.indirect.gather [hbm4b:s4+s13], $0x20, s3, s13, $0xb8;
	[tilespmem:$0x6100] =	vst v63  }
0x40: {  	_ =	swait.ge [sflag:s15], $0x1000  }
0x41: {  	[sflag:s15] =	ssyncset.done $0x0  }
0x42: {  	[sflag:s15] =	ssyncadd.s32 $0xFFFFF000  }
0x43: {  	[spmem:s2] =	stream.indirect.scatter.add.f32 [tilespmem:s14], [sflag:$0x2], $0x20, s13, s13, $0xb8;
	[tilespmem:$0x6100] =	vst v63  }
0x44: {  	_ =	swait.ge [sflag:s12], $0x1000  }
0x45: {  	s16 =	sadd.s32 $0x1, s16;
	[sflag:s12] =	ssyncset.done $0x0  }
0x46: {  	p0 =	sne.s32 s16, s8;
	[sflag:s12] =	ssyncadd.s32 $0xFFFFF000  }
.Ltmp1:
0x47: {  	[bflag:$0x0] =	sbarrier.arrive $0xFFFF;
	(pc) =	sbr.rel @p0 .LBB2_1-.Ltmp1, $4  }
0x48: {  	[hbm:s7], [sflag:s6] =	dma.local [spmem:s11], $0xA00  }
0x49: {  	_ =	swait.ge [sflag:s12], $0xA00  }
0x4a: {  	[sflag:s12] =	ssyncset.done $0x0  }
0x4b: {  	[sflag:s12] =	ssyncadd.s32 $0xFFFFF600  }
0x4c: {  	_ =	sfence.sel $0x180000  }
0x4d: {  	[bflag:$0x0] =	sbarrier.arrive $0xFFFF  }
0x4e: {  	p0 =	sne.s32 s1, $0x0;
	_ =	strace $0x90000059  }
0x4f: {  	s0 =	sadd.s32 @!p0 $0x100000, s0;
	[bflag:$0x2] =	sbarrier.arrive $0xFFFF  }
0x50: {  	[sflag:s0] =	ssyncadd.tile.s32 @!p0 $0x1;
	_ =	shalt  }
.Lfunc_end2:
_tile_overlayer_lowered:
.L_overlay_start_2:
0x51: {  	(tag) =	ssettag $0x2  }
0x52: {  	s0 =	rddreg [dreg:$0x0];
	s2 =	stileid.u32  }
0x53: {  	s1 =	rddreg [dreg:$0x1];
	p0 =	sne.s32 s2, $0x0  }
0x54: {  	s3 =	rddreg [dreg:$0x2];
	[bflag:$0x3] =	sbarrier.arrive $0xFFFF;
	s2 =	simm.s32 @!p0 $0x1C02  }
0x55: {  	[timem:s3], [sflag:s2] =	dma.local @!p0 [hbm:s0], s1  }
0x56: {  	s0 =	simm.s32 @!p0 $0x2  }
0x57: {  	_ =	swait.ge @!p0 [sflag:s0], s1  }
0x58: {  	s1 =	ssub.s32 @!p0 $0x0, s1;
	[sflag:s0] =	ssyncset.done @!p0 $0x0  }
0x59: {  	[sflag:s0] =	ssyncadd.s32 @!p0 s1  }
0x5a: {  	[bflag:$0x3] =	sbarrier.arrive $0xFFFF  }
0x5b: {  	_ =	shalt  }

</sc_bundles>
